<compile_context>
chip_gen: v7x
topology: tpu7x:2x2x1
jax: 0.10.2.dev20260603
libtpu: 0.0.44.dev20260713+nightly
codegen_flags: <defaults>
</compile_context>

<pallas_src>
import functools

import jax
import jax.numpy as jnp
from jax import lax
from jax.experimental import pallas as pl
from jax.experimental.pallas import tpu as pltpu
from jax.experimental.pallas import tpu_sc as plsc

N = 10000
N_PAD = 10240
E = 320000
D = 128
C = 128
NC = 2
NS = 16
NW = NC * NS
NJ = 80
NCHUNK = NW * NJ
E_PAD = NCHUNK * C
ROWS_PER_TILE = N_PAD // NS
DEGW = 16


def _fill2d(ref, rows, width, value):
    vec = jnp.full((16,), value, dtype=jnp.float32)

    def body(r, _):
        for k in range(width // 16):
            ref[r, pl.ds(16 * k, 16)] = vec
        return 0

    lax.fori_loop(0, rows, body, 0)


def _make_sc_agg(with_deg: bool):
    out_type = [jax.ShapeDtypeStruct((NC, N_PAD, D), jnp.float32)]
    scratch = [
        pltpu.VMEM((2, C), jnp.int32),
        pltpu.VMEM((C, D), jnp.float32),
        pltpu.VMEM_SHARED((N_PAD, D), jnp.float32),
        pltpu.SemaphoreType.DMA,
    ]
    if with_deg:
        out_type.append(jax.ShapeDtypeStruct((NC, N_PAD, DEGW), jnp.float32))
        scratch.append(pltpu.VMEM((C, DEGW), jnp.float32))
        scratch.append(pltpu.VMEM_SHARED((N_PAD, DEGW), jnp.float32))

    mesh = plsc.VectorSubcoreMesh(core_axis_name="c", subcore_axis_name="s")

    def body(x_hbm, idx_hbm, *refs):
        if with_deg:
            (agg_hbm, deg_hbm, idx_v, rows0, acc_sh, sem0,
             ones_v, deg_sh) = refs
        else:
            agg_hbm, idx_v, rows0, acc_sh, sem0 = refs

        cid = lax.axis_index("c")
        sid = lax.axis_index("s")
        wid = cid * NS + sid
        base = sid * ROWS_PER_TILE

        _fill2d(rows0, C, D, 0.0)
        for q in range(ROWS_PER_TILE // C):
            pltpu.sync_copy(rows0, acc_sh.at[pl.ds(base + q * C, C)])
        if with_deg:
            _fill2d(ones_v, C, DEGW, 0.0)
            for q in range(ROWS_PER_TILE // C):
                pltpu.sync_copy(ones_v, deg_sh.at[pl.ds(base + q * C, C)])
            _fill2d(ones_v, C, DEGW, 1.0)
        plsc.subcore_barrier()

        def chunk_body(j, _):
            c = wid * NJ + j
            pltpu.sync_copy(idx_hbm.at[c], idx_v)
            pltpu.async_copy(x_hbm.at[idx_v.at[0]], rows0, sem0).wait()
            pltpu.sync_copy(rows0, acc_sh.at[idx_v.at[1]], add=True)
            if with_deg:
                pltpu.sync_copy(ones_v, deg_sh.at[idx_v.at[1]], add=True)
            return 0

        lax.fori_loop(0, NJ, chunk_body, 0)
        plsc.subcore_barrier()

        pltpu.sync_copy(acc_sh.at[pl.ds(base, ROWS_PER_TILE)],
                        agg_hbm.at[cid, pl.ds(base, ROWS_PER_TILE)])
        if with_deg:
            pltpu.sync_copy(deg_sh.at[pl.ds(base, ROWS_PER_TILE)],
                            deg_hbm.at[cid, pl.ds(base, ROWS_PER_TILE)])

    out = tuple(out_type) if with_deg else out_type[0]
    return pl.kernel(
        body, out_type=out, mesh=mesh, scratch_types=scratch,
        compiler_params=pltpu.CompilerParams(use_tc_tiling_on_sc=False))


_sc_agg_deg = _make_sc_agg(True)
_sc_agg = _make_sc_agg(False)

_BLK = 1000


def _dense_body(relu, x_ref, aggp_ref, degp_ref, ws_ref, wn_ref, b_ref, o_ref):
    agg = aggp_ref[0] + aggp_ref[1]
    deg = jnp.sum(degp_ref[0] + degp_ref[1], axis=1, keepdims=True) / DEGW
    aggn = agg / jnp.maximum(deg, 1.0)
    o = (jnp.dot(x_ref[...], ws_ref[...], preferred_element_type=jnp.float32)
         + jnp.dot(aggn, wn_ref[...], preferred_element_type=jnp.float32)
         + b_ref[...])
    o_ref[...] = jnp.maximum(o, 0.0) if relu else o


def _dense(x, aggp, degp, Ws, Wn, b, relu):
    return pl.pallas_call(
        functools.partial(_dense_body, relu),
        grid=(N // _BLK,),
        in_specs=[
            pl.BlockSpec((_BLK, D), lambda i: (i, 0)),
            pl.BlockSpec((NC, _BLK, D), lambda i: (0, i, 0)),
            pl.BlockSpec((NC, _BLK, DEGW), lambda i: (0, i, 0)),
            pl.BlockSpec((D, D), lambda i: (0, 0)),
            pl.BlockSpec((D, D), lambda i: (0, 0)),
            pl.BlockSpec((1, D), lambda i: (0, 0)),
        ],
        out_specs=pl.BlockSpec((_BLK, D), lambda i: (i, 0)),
        out_shape=jax.ShapeDtypeStruct((N, D), jnp.float32),
    )(x, aggp, degp, Ws, Wn, b.reshape(1, D))


def kernel(inputs, edge_index, W_self1, W_neigh1, b1, W_self2, W_neigh2, b2,
           W_self3, W_neigh3, b3):
    pad = E_PAD - E
    srcp = jnp.concatenate([edge_index[0], jnp.zeros((pad,), jnp.int32)])
    dstp = jnp.concatenate([edge_index[1], jnp.full((pad,), N, jnp.int32)])
    idx2 = jnp.stack([srcp.reshape(NCHUNK, C), dstp.reshape(NCHUNK, C)],
                     axis=1)

    aggp1, degp = _sc_agg_deg(inputs, idx2)
    h1 = _dense(inputs, aggp1, degp, W_self1, W_neigh1, b1, relu=True)
    aggp2 = _sc_agg(h1, idx2)
    h2 = _dense(h1, aggp2, degp, W_self2, W_neigh2, b2, relu=True)
    aggp3 = _sc_agg(h2, idx2)
    return _dense(h2, aggp3, degp, W_self3, W_neigh3, b3, relu=False)

# --- scband reference (transcript-rebuilt; emitter-appended) ---
"""Pipeline reference for scband-sage-61967788146768 (READ-ONLY COPY).

The authoritative reference and input builder live on the scoring server;
editing this copy changes nothing except your own understanding.
"""

import jax, jax.numpy as jnp
import numpy as np

N = 10000
E = 320000
D_IN = 128
D_HID = 128
D_OUT = 128


def _linear_init(key, fan_in, fan_out):
    return jax.random.normal(key, (fan_in, fan_out), dtype=jnp.float32) * (1.0 / np.sqrt(fan_in))


def setup_inputs(seed: int = 0) -> dict:
    key = jax.random.key(seed)
    ks = jax.random.split(key, 12)
    inputs = jax.random.normal(ks[0], (N, D_IN), dtype=jnp.float32)
    edge_index = jax.random.randint(ks[1], (2, E), 0, N, dtype=jnp.int32)
    # DGL-style SAGEConv (mean aggregator): rst = fc_self(h) + fc_neigh(mean_agg(h)) + bias
    W_self1 = _linear_init(ks[2], D_IN, D_HID)
    W_neigh1 = _linear_init(ks[3], D_IN, D_HID)
    b1 = jnp.zeros((D_HID,), dtype=jnp.float32)
    W_self2 = _linear_init(ks[4], D_HID, D_HID)
    W_neigh2 = _linear_init(ks[5], D_HID, D_HID)
    b2 = jnp.zeros((D_HID,), dtype=jnp.float32)
    W_self3 = _linear_init(ks[6], D_HID, D_OUT)
    W_neigh3 = _linear_init(ks[7], D_HID, D_OUT)
    b3 = jnp.zeros((D_OUT,), dtype=jnp.float32)
    return {
        "inputs": inputs,
        "edge_index": edge_index,
        "W_self1": W_self1, "W_neigh1": W_neigh1, "b1": b1,
        "W_self2": W_self2, "W_neigh2": W_neigh2, "b2": b2,
        "W_self3": W_self3, "W_neigh3": W_neigh3, "b3": b3,
    }


def _sage_conv(x, src, dst, W_self, W_neigh, b):
    # mean aggregation of source-node features onto destination nodes
    msg = jnp.take(x, src, axis=0)                      # gather [E, d]
    agg = jax.ops.segment_sum(msg, dst, num_segments=N)  # scatter-add [N, d]
    deg = jax.ops.segment_sum(jnp.ones((src.shape[0],), x.dtype), dst, num_segments=N)
    agg = agg / jnp.clip(deg, 1.0, None)[:, None]
    return x @ W_self + agg @ W_neigh + b


def reference(inputs, edge_index, W_self1, W_neigh1, b1, W_self2, W_neigh2, b2, W_self3, W_neigh3, b3):
    src = edge_index[0]
    dst = edge_index[1]
    h = _sage_conv(inputs, src, dst, W_self1, W_neigh1, b1)
    h = jax.nn.relu(h)
    h = _sage_conv(h, src, dst, W_self2, W_neigh2, b2)
    h = jax.nn.relu(h)
    h = _sage_conv(h, src, dst, W_self3, W_neigh3, b3)
    return h

if __name__ == "__main__":
    import jax
    _d = setup_inputs()
    print(jax.jit(kernel)(*tuple(_d.values())))

</pallas_src>

<mosaic_0001>
#map = affine_map<(d0, d1) -> (0, 0)>
#map1 = affine_map<(d0, d1) -> (0, 0, 0)>
module attributes {stable_mosaic.version = 14 : i64} {
  func.func @body(%arg0: i32, %arg1: i32, %arg2: memref<10000x128xf32, #tpu.memory_space<hbm>>, %arg3: memref<2560x2x128xi32, #tpu.memory_space<hbm>>, %arg4: memref<2x10240x128xf32, #tpu.memory_space<hbm>>, %arg5: memref<2x10240x16xf32, #tpu.memory_space<hbm>>, %arg6: memref<2x128xi32, #tpu.memory_space<vmem>>, %arg7: memref<128x128xf32, #tpu.memory_space<vmem>>, %arg8: memref<10240x128xf32, #tpu.memory_space<vmem_shared>>, %arg9: memref<!tpu.dma_semaphore, #tpu.memory_space<semaphore_mem>>, %arg10: memref<128x16xf32, #tpu.memory_space<vmem>>, %arg11: memref<10240x16xf32, #tpu.memory_space<vmem_shared>>) attributes {dimension_semantics = [#tpu.dimension_semantics<core_parallel>, #tpu.dimension_semantics<subcore_parallel>], iteration_bounds = array<i64: 2, 16>, scalar_prefetch = 0 : i64, scratch_operands = 6 : i64, tpu.core_type = #tpu.core_type<sc_vector_subcore>, window_params = [{transform_indices = #map}, {transform_indices = #map1}, {transform_indices = #map1}, {transform_indices = #map1}]} {
    %mul3A = arith.constant 16 : i32
    %mul3A_0 = arith.muli %arg0, %mul3A : i32
    %add3A = arith.addi %mul3A_0, %arg1 : i32
    %mul3A_1 = arith.constant 640 : i32
    %mul3A_2 = arith.muli %arg1, %mul3A_1 : i32
    %broadcast_in_dim3A = arith.constant 0.000000e+00 : f32
    %broadcast_in_dim3A_3 = vector.broadcast %broadcast_in_dim3A : f32 to vector<16xf32>
    %scan3A = arith.constant 0 : i32
    %scan3A_4 = arith.constant 0 : i32
    %scan3A_5 = arith.constant 128 : i32
    %scan3A_6 = arith.addi %scan3A_4, %scan3A_5 : i32
    %scan3A_7 = arith.constant 1 : i32
    %scan3A_8 = scf.for %scan3A_56 = %scan3A_4 to %scan3A_6 step %scan3A_7 iter_args(%scan3A_57 = %scan3A) -> (i32)  : i32 {
      %swap3A = arith.index_cast %scan3A_56 : i32 to index
      %swap3A_58 = arith.constant 0 : index
      %swap3A_59 = tpu.vector_load %arg7[%swap3A, %swap3A_58] {strides = array<i32>} : memref<128x128xf32, #tpu.memory_space<vmem>>, vector<1x16xf32>,
      %swap3A_60 = vector.shape_cast %swap3A_59 : vector<1x16xf32> to vector<16xf32>
      %swap3A_61 = vector.shape_cast %broadcast_in_dim3A_3 : vector<16xf32> to vector<1x16xf32>
      tpu.vector_store %arg7[%swap3A, %swap3A_58], %swap3A_61 {strides = array<i32>} : memref<128x128xf32, #tpu.memory_space<vmem>>, vector<1x16xf32>,
      %swap3A_62 = arith.index_cast %scan3A_56 : i32 to index
      %swap3A_63 = arith.constant 16 : index
      %swap3A_64 = tpu.vector_load %arg7[%swap3A_62, %swap3A_63] {strides = array<i32>} : memref<128x128xf32, #tpu.memory_space<vmem>>, vector<1x16xf32>,
      %swap3A_65 = vector.shape_cast %swap3A_64 : vector<1x16xf32> to vector<16xf32>
      %swap3A_66 = vector.shape_cast %broadcast_in_dim3A_3 : vector<16xf32> to vector<1x16xf32>
      tpu.vector_store %arg7[%swap3A_62, %swap3A_63], %swap3A_66 {strides = array<i32>} : memref<128x128xf32, #tpu.memory_space<vmem>>, vector<1x16xf32>,
      %swap3A_67 = arith.index_cast %scan3A_56 : i32 to index
      %swap3A_68 = arith.constant 32 : index
      %swap3A_69 = tpu.vector_load %arg7[%swap3A_67, %swap3A_68] {strides = array<i32>} : memref<128x128xf32, #tpu.memory_space<vmem>>, vector<1x16xf32>,
      %swap3A_70 = vector.shape_cast %swap3A_69 : vector<1x16xf32> to vector<16xf32>
      %swap3A_71 = vector.shape_cast %broadcast_in_dim3A_3 : vector<16xf32> to vector<1x16xf32>
      tpu.vector_store %arg7[%swap3A_67, %swap3A_68], %swap3A_71 {strides = array<i32>} : memref<128x128xf32, #tpu.memory_space<vmem>>, vector<1x16xf32>,
      %swap3A_72 = arith.index_cast %scan3A_56 : i32 to index
      %swap3A_73 = arith.constant 48 : index
      %swap3A_74 = tpu.vector_load %arg7[%swap3A_72, %swap3A_73] {strides = array<i32>} : memref<128x128xf32, #tpu.memory_space<vmem>>, vector<1x16xf32>,
      %swap3A_75 = vector.shape_cast %swap3A_74 : vector<1x16xf32> to vector<16xf32>
      %swap3A_76 = vector.shape_cast %broadcast_in_dim3A_3 : vector<16xf32> to vector<1x16xf32>
      tpu.vector_store %arg7[%swap3A_72, %swap3A_73], %swap3A_76 {strides = array<i32>} : memref<128x128xf32, #tpu.memory_space<vmem>>, vector<1x16xf32>,
      %swap3A_77 = arith.index_cast %scan3A_56 : i32 to index
      %swap3A_78 = arith.constant 64 : index
      %swap3A_79 = tpu.vector_load %arg7[%swap3A_77, %swap3A_78] {strides = array<i32>} : memref<128x128xf32, #tpu.memory_space<vmem>>, vector<1x16xf32>,
      %swap3A_80 = vector.shape_cast %swap3A_79 : vector<1x16xf32> to vector<16xf32>
      %swap3A_81 = vector.shape_cast %broadcast_in_dim3A_3 : vector<16xf32> to vector<1x16xf32>
      tpu.vector_store %arg7[%swap3A_77, %swap3A_78], %swap3A_81 {strides = array<i32>} : memref<128x128xf32, #tpu.memory_space<vmem>>, vector<1x16xf32>,
      %swap3A_82 = arith.index_cast %scan3A_56 : i32 to index
      %swap3A_83 = arith.constant 80 : index
      %swap3A_84 = tpu.vector_load %arg7[%swap3A_82, %swap3A_83] {strides = array<i32>} : memref<128x128xf32, #tpu.memory_space<vmem>>, vector<1x16xf32>,
      %swap3A_85 = vector.shape_cast %swap3A_84 : vector<1x16xf32> to vector<16xf32>
      %swap3A_86 = vector.shape_cast %broadcast_in_dim3A_3 : vector<16xf32> to vector<1x16xf32>
      tpu.vector_store %arg7[%swap3A_82, %swap3A_83], %swap3A_86 {strides = array<i32>} : memref<128x128xf32, #tpu.memory_space<vmem>>, vector<1x16xf32>,
      %swap3A_87 = arith.index_cast %scan3A_56 : i32 to index
      %swap3A_88 = arith.constant 96 : index
      %swap3A_89 = tpu.vector_load %arg7[%swap3A_87, %swap3A_88] {strides = array<i32>} : memref<128x128xf32, #tpu.memory_space<vmem>>, vector<1x16xf32>,
      %swap3A_90 = vector.shape_cast %swap3A_89 : vector<1x16xf32> to vector<16xf32>
      %swap3A_91 = vector.shape_cast %broadcast_in_dim3A_3 : vector<16xf32> to vector<1x16xf32>
      tpu.vector_store %arg7[%swap3A_87, %swap3A_88], %swap3A_91 {strides = array<i32>} : memref<128x128xf32, #tpu.memory_space<vmem>>, vector<1x16xf32>,
      %swap3A_92 = arith.index_cast %scan3A_56 : i32 to index
      %swap3A_93 = arith.constant 112 : index
      %swap3A_94 = tpu.vector_load %arg7[%swap3A_92, %swap3A_93] {strides = array<i32>} : memref<128x128xf32, #tpu.memory_space<vmem>>, vector<1x16xf32>,
      %swap3A_95 = vector.shape_cast %swap3A_94 : vector<1x16xf32> to vector<16xf32>
      %swap3A_96 = vector.shape_cast %broadcast_in_dim3A_3 : vector<16xf32> to vector<1x16xf32>
      tpu.vector_store %arg7[%swap3A_92, %swap3A_93], %swap3A_96 {strides = array<i32>} : memref<128x128xf32, #tpu.memory_space<vmem>>, vector<1x16xf32>,
      %scan3A_97 = arith.constant 0 : i32
      scf.yield %scan3A_97 : i32
    }
    %scan3A_9 = arith.constant 128 : i32
    %add3A_10 = arith.constant 0 : i32
    %add3A_11 = arith.addi %mul3A_2, %add3A_10 : i32
    "tpu.region"() ({
      %run_scoped3A = tpu.sem_alloc : memref<!tpu.dma_semaphore, #tpu.memory_space<semaphore_mem>>
      %dma_start3A = arith.constant 0 : i32
      %dma_start3A_56 = tpu.memref_slice %arg8[%add3A_11, %dma_start3A] : memref<10240x128xf32, #tpu.memory_space<vmem_shared>> -> memref<128x128xf32, #tpu.memory_space<vmem_shared>>
      %dma_start3A_57 = arith.constant 0 : i32
      %dma_start3A_58 = tpu.memref_slice %arg8[%add3A_11, %dma_start3A_57] : memref<10240x128xf32, #tpu.memory_space<vmem_shared>> -> memref<128x128xf32, #tpu.memory_space<vmem_shared>>
      tpu.enqueue_dma source(%arg7 : memref<128x128xf32, #tpu.memory_space<vmem>>) target(%dma_start3A_58 : memref<128x128xf32, #tpu.memory_space<vmem_shared>>) target_semaphore(%run_scoped3A : memref<!tpu.dma_semaphore, #tpu.memory_space<semaphore_mem>>)
      %dma_wait3A = arith.constant 0 : i32
      %dma_wait3A_59 = tpu.memref_slice %arg8[%add3A_11, %dma_wait3A] : memref<10240x128xf32, #tpu.memory_space<vmem_shared>> -> memref<128x128xf32, #tpu.memory_space<vmem_shared>>
      %dma_wait3A_60 = arith.constant 0 : i32
      %dma_wait3A_61 = tpu.memref_slice %arg8[%add3A_11, %dma_wait3A_60] : memref<10240x128xf32, #tpu.memory_space<vmem_shared>> -> memref<128x128xf32, #tpu.memory_space<vmem_shared>>
      tpu.wait_dma2 semaphore(%run_scoped3A : memref<!tpu.dma_semaphore, #tpu.memory_space<semaphore_mem>>) src(%arg7 : memref<128x128xf32, #tpu.memory_space<vmem>>) dst(%dma_wait3A_61 : memref<128x128xf32, #tpu.memory_space<vmem_shared>>)
      tpu.yield
    }) : () -> ()
    %add3A_12 = arith.constant 128 : i32
    %add3A_13 = arith.addi %mul3A_2, %add3A_12 : i32
    "tpu.region"() ({
      %run_scoped3A = tpu.sem_alloc : memref<!tpu.dma_semaphore, #tpu.memory_space<semaphore_mem>>
      %dma_start3A = arith.constant 0 : i32
      %dma_start3A_56 = tpu.memref_slice %arg8[%add3A_13, %dma_start3A] : memref<10240x128xf32, #tpu.memory_space<vmem_shared>> -> memref<128x128xf32, #tpu.memory_space<vmem_shared>>
      %dma_start3A_57 = arith.constant 0 : i32
      %dma_start3A_58 = tpu.memref_slice %arg8[%add3A_13, %dma_start3A_57] : memref<10240x128xf32, #tpu.memory_space<vmem_shared>> -> memref<128x128xf32, #tpu.memory_space<vmem_shared>>
      tpu.enqueue_dma source(%arg7 : memref<128x128xf32, #tpu.memory_space<vmem>>) target(%dma_start3A_58 : memref<128x128xf32, #tpu.memory_space<vmem_shared>>) target_semaphore(%run_scoped3A : memref<!tpu.dma_semaphore, #tpu.memory_space<semaphore_mem>>)
      %dma_wait3A = arith.constant 0 : i32
      %dma_wait3A_59 = tpu.memref_slice %arg8[%add3A_13, %dma_wait3A] : memref<10240x128xf32, #tpu.memory_space<vmem_shared>> -> memref<128x128xf32, #tpu.memory_space<vmem_shared>>
      %dma_wait3A_60 = arith.constant 0 : i32
      %dma_wait3A_61 = tpu.memref_slice %arg8[%add3A_13, %dma_wait3A_60] : memref<10240x128xf32, #tpu.memory_space<vmem_shared>> -> memref<128x128xf32, #tpu.memory_space<vmem_shared>>
      tpu.wait_dma2 semaphore(%run_scoped3A : memref<!tpu.dma_semaphore, #tpu.memory_space<semaphore_mem>>) src(%arg7 : memref<128x128xf32, #tpu.memory_space<vmem>>) dst(%dma_wait3A_61 : memref<128x128xf32, #tpu.memory_space<vmem_shared>>)
      tpu.yield
    }) : () -> ()
    %add3A_14 = arith.constant 256 : i32
    %add3A_15 = arith.addi %mul3A_2, %add3A_14 : i32
    "tpu.region"() ({
      %run_scoped3A = tpu.sem_alloc : memref<!tpu.dma_semaphore, #tpu.memory_space<semaphore_mem>>
      %dma_start3A = arith.constant 0 : i32
      %dma_start3A_56 = tpu.memref_slice %arg8[%add3A_15, %dma_start3A] : memref<10240x128xf32, #tpu.memory_space<vmem_shared>> -> memref<128x128xf32, #tpu.memory_space<vmem_shared>>
      %dma_start3A_57 = arith.constant 0 : i32
      %dma_start3A_58 = tpu.memref_slice %arg8[%add3A_15, %dma_start3A_57] : memref<10240x128xf32, #tpu.memory_space<vmem_shared>> -> memref<128x128xf32, #tpu.memory_space<vmem_shared>>
      tpu.enqueue_dma source(%arg7 : memref<128x128xf32, #tpu.memory_space<vmem>>) target(%dma_start3A_58 : memref<128x128xf32, #tpu.memory_space<vmem_shared>>) target_semaphore(%run_scoped3A : memref<!tpu.dma_semaphore, #tpu.memory_space<semaphore_mem>>)
      %dma_wait3A = arith.constant 0 : i32
      %dma_wait3A_59 = tpu.memref_slice %arg8[%add3A_15, %dma_wait3A] : memref<10240x128xf32, #tpu.memory_space<vmem_shared>> -> memref<128x128xf32, #tpu.memory_space<vmem_shared>>
      %dma_wait3A_60 = arith.constant 0 : i32
      %dma_wait3A_61 = tpu.memref_slice %arg8[%add3A_15, %dma_wait3A_60] : memref<10240x128xf32, #tpu.memory_space<vmem_shared>> -> memref<128x128xf32, #tpu.memory_space<vmem_shared>>
      tpu.wait_dma2 semaphore(%run_scoped3A : memref<!tpu.dma_semaphore, #tpu.memory_space<semaphore_mem>>) src(%arg7 : memref<128x128xf32, #tpu.memory_space<vmem>>) dst(%dma_wait3A_61 : memref<128x128xf32, #tpu.memory_space<vmem_shared>>)
      tpu.yield
    }) : () -> ()
    %add3A_16 = arith.constant 384 : i32
    %add3A_17 = arith.addi %mul3A_2, %add3A_16 : i32
    "tpu.region"() ({
      %run_scoped3A = tpu.sem_alloc : memref<!tpu.dma_semaphore, #tpu.memory_space<semaphore_mem>>
      %dma_start3A = arith.constant 0 : i32
      %dma_start3A_56 = tpu.memref_slice %arg8[%add3A_17, %dma_start3A] : memref<10240x128xf32, #tpu.memory_space<vmem_shared>> -> memref<128x128xf32, #tpu.memory_space<vmem_shared>>
      %dma_start3A_57 = arith.constant 0 : i32
      %dma_start3A_58 = tpu.memref_slice %arg8[%add3A_17, %dma_start3A_57] : memref<10240x128xf32, #tpu.memory_space<vmem_shared>> -> memref<128x128xf32, #tpu.memory_space<vmem_shared>>
      tpu.enqueue_dma source(%arg7 : memref<128x128xf32, #tpu.memory_space<vmem>>) target(%dma_start3A_58 : memref<128x128xf32, #tpu.memory_space<vmem_shared>>) target_semaphore(%run_scoped3A : memref<!tpu.dma_semaphore, #tpu.memory_space<semaphore_mem>>)
      %dma_wait3A = arith.constant 0 : i32
      %dma_wait3A_59 = tpu.memref_slice %arg8[%add3A_17, %dma_wait3A] : memref<10240x128xf32, #tpu.memory_space<vmem_shared>> -> memref<128x128xf32, #tpu.memory_space<vmem_shared>>
      %dma_wait3A_60 = arith.constant 0 : i32
      %dma_wait3A_61 = tpu.memref_slice %arg8[%add3A_17, %dma_wait3A_60] : memref<10240x128xf32, #tpu.memory_space<vmem_shared>> -> memref<128x128xf32, #tpu.memory_space<vmem_shared>>
      tpu.wait_dma2 semaphore(%run_scoped3A : memref<!tpu.dma_semaphore, #tpu.memory_space<semaphore_mem>>) src(%arg7 : memref<128x128xf32, #tpu.memory_space<vmem>>) dst(%dma_wait3A_61 : memref<128x128xf32, #tpu.memory_space<vmem_shared>>)
      tpu.yield
    }) : () -> ()
    %add3A_18 = arith.constant 512 : i32
    %add3A_19 = arith.addi %mul3A_2, %add3A_18 : i32
    "tpu.region"() ({
      %run_scoped3A = tpu.sem_alloc : memref<!tpu.dma_semaphore, #tpu.memory_space<semaphore_mem>>
      %dma_start3A = arith.constant 0 : i32
      %dma_start3A_56 = tpu.memref_slice %arg8[%add3A_19, %dma_start3A] : memref<10240x128xf32, #tpu.memory_space<vmem_shared>> -> memref<128x128xf32, #tpu.memory_space<vmem_shared>>
      %dma_start3A_57 = arith.constant 0 : i32
      %dma_start3A_58 = tpu.memref_slice %arg8[%add3A_19, %dma_start3A_57] : memref<10240x128xf32, #tpu.memory_space<vmem_shared>> -> memref<128x128xf32, #tpu.memory_space<vmem_shared>>
      tpu.enqueue_dma source(%arg7 : memref<128x128xf32, #tpu.memory_space<vmem>>) target(%dma_start3A_58 : memref<128x128xf32, #tpu.memory_space<vmem_shared>>) target_semaphore(%run_scoped3A : memref<!tpu.dma_semaphore, #tpu.memory_space<semaphore_mem>>)
      %dma_wait3A = arith.constant 0 : i32
      %dma_wait3A_59 = tpu.memref_slice %arg8[%add3A_19, %dma_wait3A] : memref<10240x128xf32, #tpu.memory_space<vmem_shared>> -> memref<128x128xf32, #tpu.memory_space<vmem_shared>>
      %dma_wait3A_60 = arith.constant 0 : i32
      %dma_wait3A_61 = tpu.memref_slice %arg8[%add3A_19, %dma_wait3A_60] : memref<10240x128xf32, #tpu.memory_space<vmem_shared>> -> memref<128x128xf32, #tpu.memory_space<vmem_shared>>
      tpu.wait_dma2 semaphore(%run_scoped3A : memref<!tpu.dma_semaphore, #tpu.memory_space<semaphore_mem>>) src(%arg7 : memref<128x128xf32, #tpu.memory_space<vmem>>) dst(%dma_wait3A_61 : memref<128x128xf32, #tpu.memory_space<vmem_shared>>)
      tpu.yield
    }) : () -> ()
    %broadcast_in_dim3A_20 = arith.constant 0.000000e+00 : f32
    %broadcast_in_dim3A_21 = vector.broadcast %broadcast_in_dim3A_20 : f32 to vector<16xf32>
    %scan3A_22 = arith.constant 0 : i32
    %scan3A_23 = arith.constant 0 : i32
    %scan3A_24 = arith.constant 128 : i32
    %scan3A_25 = arith.addi %scan3A_23, %scan3A_24 : i32
    %scan3A_26 = arith.constant 1 : i32
    %scan3A_27 = scf.for %scan3A_56 = %scan3A_23 to %scan3A_25 step %scan3A_26 iter_args(%scan3A_57 = %scan3A_22) -> (i32)  : i32 {
      %swap3A = arith.index_cast %scan3A_56 : i32 to index
      %swap3A_58 = arith.constant 0 : index
      %swap3A_59 = tpu.vector_load %arg10[%swap3A, %swap3A_58] {strides = array<i32>} : memref<128x16xf32, #tpu.memory_space<vmem>>, vector<1x16xf32>,
      %swap3A_60 = vector.shape_cast %swap3A_59 : vector<1x16xf32> to vector<16xf32>
      %swap3A_61 = vector.shape_cast %broadcast_in_dim3A_21 : vector<16xf32> to vector<1x16xf32>
      tpu.vector_store %arg10[%swap3A, %swap3A_58], %swap3A_61 {strides = array<i32>} : memref<128x16xf32, #tpu.memory_space<vmem>>, vector<1x16xf32>,
      %scan3A_62 = arith.constant 0 : i32
      scf.yield %scan3A_62 : i32
    }
    %scan3A_28 = arith.constant 128 : i32
    %add3A_29 = arith.constant 0 : i32
    %add3A_30 = arith.addi %mul3A_2, %add3A_29 : i32
    "tpu.region"() ({
      %run_scoped3A = tpu.sem_alloc : memref<!tpu.dma_semaphore, #tpu.memory_space<semaphore_mem>>
      %dma_start3A = arith.constant 0 : i32
      %dma_start3A_56 = tpu.memref_slice %arg11[%add3A_30, %dma_start3A] : memref<10240x16xf32, #tpu.memory_space<vmem_shared>> -> memref<128x16xf32, #tpu.memory_space<vmem_shared>>
      %dma_start3A_57 = arith.constant 0 : i32
      %dma_start3A_58 = tpu.memref_slice %arg11[%add3A_30, %dma_start3A_57] : memref<10240x16xf32, #tpu.memory_space<vmem_shared>> -> memref<128x16xf32, #tpu.memory_space<vmem_shared>>
      tpu.enqueue_dma source(%arg10 : memref<128x16xf32, #tpu.memory_space<vmem>>) target(%dma_start3A_58 : memref<128x16xf32, #tpu.memory_space<vmem_shared>>) target_semaphore(%run_scoped3A : memref<!tpu.dma_semaphore, #tpu.memory_space<semaphore_mem>>)
      %dma_wait3A = arith.constant 0 : i32
      %dma_wait3A_59 = tpu.memref_slice %arg11[%add3A_30, %dma_wait3A] : memref<10240x16xf32, #tpu.memory_space<vmem_shared>> -> memref<128x16xf32, #tpu.memory_space<vmem_shared>>
      %dma_wait3A_60 = arith.constant 0 : i32
      %dma_wait3A_61 = tpu.memref_slice %arg11[%add3A_30, %dma_wait3A_60] : memref<10240x16xf32, #tpu.memory_space<vmem_shared>> -> memref<128x16xf32, #tpu.memory_space<vmem_shared>>
      tpu.wait_dma2 semaphore(%run_scoped3A : memref<!tpu.dma_semaphore, #tpu.memory_space<semaphore_mem>>) src(%arg10 : memref<128x16xf32, #tpu.memory_space<vmem>>) dst(%dma_wait3A_61 : memref<128x16xf32, #tpu.memory_space<vmem_shared>>)
      tpu.yield
    }) : () -> ()
    %add3A_31 = arith.constant 128 : i32
    %add3A_32 = arith.addi %mul3A_2, %add3A_31 : i32
    "tpu.region"() ({
      %run_scoped3A = tpu.sem_alloc : memref<!tpu.dma_semaphore, #tpu.memory_space<semaphore_mem>>
      %dma_start3A = arith.constant 0 : i32
      %dma_start3A_56 = tpu.memref_slice %arg11[%add3A_32, %dma_start3A] : memref<10240x16xf32, #tpu.memory_space<vmem_shared>> -> memref<128x16xf32, #tpu.memory_space<vmem_shared>>
      %dma_start3A_57 = arith.constant 0 : i32
      %dma_start3A_58 = tpu.memref_slice %arg11[%add3A_32, %dma_start3A_57] : memref<10240x16xf32, #tpu.memory_space<vmem_shared>> -> memref<128x16xf32, #tpu.memory_space<vmem_shared>>
      tpu.enqueue_dma source(%arg10 : memref<128x16xf32, #tpu.memory_space<vmem>>) target(%dma_start3A_58 : memref<128x16xf32, #tpu.memory_space<vmem_shared>>) target_semaphore(%run_scoped3A : memref<!tpu.dma_semaphore, #tpu.memory_space<semaphore_mem>>)
      %dma_wait3A = arith.constant 0 : i32
      %dma_wait3A_59 = tpu.memref_slice %arg11[%add3A_32, %dma_wait3A] : memref<10240x16xf32, #tpu.memory_space<vmem_shared>> -> memref<128x16xf32, #tpu.memory_space<vmem_shared>>
      %dma_wait3A_60 = arith.constant 0 : i32
      %dma_wait3A_61 = tpu.memref_slice %arg11[%add3A_32, %dma_wait3A_60] : memref<10240x16xf32, #tpu.memory_space<vmem_shared>> -> memref<128x16xf32, #tpu.memory_space<vmem_shared>>
      tpu.wait_dma2 semaphore(%run_scoped3A : memref<!tpu.dma_semaphore, #tpu.memory_space<semaphore_mem>>) src(%arg10 : memref<128x16xf32, #tpu.memory_space<vmem>>) dst(%dma_wait3A_61 : memref<128x16xf32, #tpu.memory_space<vmem_shared>>)
      tpu.yield
    }) : () -> ()
    %add3A_33 = arith.constant 256 : i32
    %add3A_34 = arith.addi %mul3A_2, %add3A_33 : i32
    "tpu.region"() ({
      %run_scoped3A = tpu.sem_alloc : memref<!tpu.dma_semaphore, #tpu.memory_space<semaphore_mem>>
      %dma_start3A = arith.constant 0 : i32
      %dma_start3A_56 = tpu.memref_slice %arg11[%add3A_34, %dma_start3A] : memref<10240x16xf32, #tpu.memory_space<vmem_shared>> -> memref<128x16xf32, #tpu.memory_space<vmem_shared>>
      %dma_start3A_57 = arith.constant 0 : i32
      %dma_start3A_58 = tpu.memref_slice %arg11[%add3A_34, %dma_start3A_57] : memref<10240x16xf32, #tpu.memory_space<vmem_shared>> -> memref<128x16xf32, #tpu.memory_space<vmem_shared>>
      tpu.enqueue_dma source(%arg10 : memref<128x16xf32, #tpu.memory_space<vmem>>) target(%dma_start3A_58 : memref<128x16xf32, #tpu.memory_space<vmem_shared>>) target_semaphore(%run_scoped3A : memref<!tpu.dma_semaphore, #tpu.memory_space<semaphore_mem>>)
      %dma_wait3A = arith.constant 0 : i32
      %dma_wait3A_59 = tpu.memref_slice %arg11[%add3A_34, %dma_wait3A] : memref<10240x16xf32, #tpu.memory_space<vmem_shared>> -> memref<128x16xf32, #tpu.memory_space<vmem_shared>>
      %dma_wait3A_60 = arith.constant 0 : i32
      %dma_wait3A_61 = tpu.memref_slice %arg11[%add3A_34, %dma_wait3A_60] : memref<10240x16xf32, #tpu.memory_space<vmem_shared>> -> memref<128x16xf32, #tpu.memory_space<vmem_shared>>
      tpu.wait_dma2 semaphore(%run_scoped3A : memref<!tpu.dma_semaphore, #tpu.memory_space<semaphore_mem>>) src(%arg10 : memref<128x16xf32, #tpu.memory_space<vmem>>) dst(%dma_wait3A_61 : memref<128x16xf32, #tpu.memory_space<vmem_shared>>)
      tpu.yield
    }) : () -> ()
    %add3A_35 = arith.constant 384 : i32
    %add3A_36 = arith.addi %mul3A_2, %add3A_35 : i32
    "tpu.region"() ({
      %run_scoped3A = tpu.sem_alloc : memref<!tpu.dma_semaphore, #tpu.memory_space<semaphore_mem>>
      %dma_start3A = arith.constant 0 : i32
      %dma_start3A_56 = tpu.memref_slice %arg11[%add3A_36, %dma_start3A] : memref<10240x16xf32, #tpu.memory_space<vmem_shared>> -> memref<128x16xf32, #tpu.memory_space<vmem_shared>>
      %dma_start3A_57 = arith.constant 0 : i32
      %dma_start3A_58 = tpu.memref_slice %arg11[%add3A_36, %dma_start3A_57] : memref<10240x16xf32, #tpu.memory_space<vmem_shared>> -> memref<128x16xf32, #tpu.memory_space<vmem_shared>>
      tpu.enqueue_dma source(%arg10 : memref<128x16xf32, #tpu.memory_space<vmem>>) target(%dma_start3A_58 : memref<128x16xf32, #tpu.memory_space<vmem_shared>>) target_semaphore(%run_scoped3A : memref<!tpu.dma_semaphore, #tpu.memory_space<semaphore_mem>>)
      %dma_wait3A = arith.constant 0 : i32
      %dma_wait3A_59 = tpu.memref_slice %arg11[%add3A_36, %dma_wait3A] : memref<10240x16xf32, #tpu.memory_space<vmem_shared>> -> memref<128x16xf32, #tpu.memory_space<vmem_shared>>
      %dma_wait3A_60 = arith.constant 0 : i32
      %dma_wait3A_61 = tpu.memref_slice %arg11[%add3A_36, %dma_wait3A_60] : memref<10240x16xf32, #tpu.memory_space<vmem_shared>> -> memref<128x16xf32, #tpu.memory_space<vmem_shared>>
      tpu.wait_dma2 semaphore(%run_scoped3A : memref<!tpu.dma_semaphore, #tpu.memory_space<semaphore_mem>>) src(%arg10 : memref<128x16xf32, #tpu.memory_space<vmem>>) dst(%dma_wait3A_61 : memref<128x16xf32, #tpu.memory_space<vmem_shared>>)
      tpu.yield
    }) : () -> ()
    %add3A_37 = arith.constant 512 : i32
    %add3A_38 = arith.addi %mul3A_2, %add3A_37 : i32
    "tpu.region"() ({
      %run_scoped3A = tpu.sem_alloc : memref<!tpu.dma_semaphore, #tpu.memory_space<semaphore_mem>>
      %dma_start3A = arith.constant 0 : i32
      %dma_start3A_56 = tpu.memref_slice %arg11[%add3A_38, %dma_start3A] : memref<10240x16xf32, #tpu.memory_space<vmem_shared>> -> memref<128x16xf32, #tpu.memory_space<vmem_shared>>
      %dma_start3A_57 = arith.constant 0 : i32
      %dma_start3A_58 = tpu.memref_slice %arg11[%add3A_38, %dma_start3A_57] : memref<10240x16xf32, #tpu.memory_space<vmem_shared>> -> memref<128x16xf32, #tpu.memory_space<vmem_shared>>
      tpu.enqueue_dma source(%arg10 : memref<128x16xf32, #tpu.memory_space<vmem>>) target(%dma_start3A_58 : memref<128x16xf32, #tpu.memory_space<vmem_shared>>) target_semaphore(%run_scoped3A : memref<!tpu.dma_semaphore, #tpu.memory_space<semaphore_mem>>)
      %dma_wait3A = arith.constant 0 : i32
      %dma_wait3A_59 = tpu.memref_slice %arg11[%add3A_38, %dma_wait3A] : memref<10240x16xf32, #tpu.memory_space<vmem_shared>> -> memref<128x16xf32, #tpu.memory_space<vmem_shared>>
      %dma_wait3A_60 = arith.constant 0 : i32
      %dma_wait3A_61 = tpu.memref_slice %arg11[%add3A_38, %dma_wait3A_60] : memref<10240x16xf32, #tpu.memory_space<vmem_shared>> -> memref<128x16xf32, #tpu.memory_space<vmem_shared>>
      tpu.wait_dma2 semaphore(%run_scoped3A : memref<!tpu.dma_semaphore, #tpu.memory_space<semaphore_mem>>) src(%arg10 : memref<128x16xf32, #tpu.memory_space<vmem>>) dst(%dma_wait3A_61 : memref<128x16xf32, #tpu.memory_space<vmem_shared>>)
      tpu.yield
    }) : () -> ()
    %broadcast_in_dim3A_39 = arith.constant 1.000000e+00 : f32
    %broadcast_in_dim3A_40 = vector.broadcast %broadcast_in_dim3A_39 : f32 to vector<16xf32>
    %scan3A_41 = arith.constant 0 : i32
    %scan3A_42 = arith.constant 0 : i32
    %scan3A_43 = arith.constant 128 : i32
    %scan3A_44 = arith.addi %scan3A_42, %scan3A_43 : i32
    %scan3A_45 = arith.constant 1 : i32
    %scan3A_46 = scf.for %scan3A_56 = %scan3A_42 to %scan3A_44 step %scan3A_45 iter_args(%scan3A_57 = %scan3A_41) -> (i32)  : i32 {
      %swap3A = arith.index_cast %scan3A_56 : i32 to index
      %swap3A_58 = arith.constant 0 : index
      %swap3A_59 = tpu.vector_load %arg10[%swap3A, %swap3A_58] {strides = array<i32>} : memref<128x16xf32, #tpu.memory_space<vmem>>, vector<1x16xf32>,
      %swap3A_60 = vector.shape_cast %swap3A_59 : vector<1x16xf32> to vector<16xf32>
      %swap3A_61 = vector.shape_cast %broadcast_in_dim3A_40 : vector<16xf32> to vector<1x16xf32>
      tpu.vector_store %arg10[%swap3A, %swap3A_58], %swap3A_61 {strides = array<i32>} : memref<128x16xf32, #tpu.memory_space<vmem>>, vector<1x16xf32>,
      %scan3A_62 = arith.constant 0 : i32
      scf.yield %scan3A_62 : i32
    }
    %scan3A_47 = arith.constant 128 : i32
    %barrier3A = arith.constant 0 : index
    tpu.barrier barrier_id(%barrier3A)
    %scan3A_48 = arith.constant 0 : i32
    %scan3A_49 = arith.constant 0 : i32
    %scan3A_50 = arith.constant 80 : i32
    %scan3A_51 = arith.addi %scan3A_49, %scan3A_50 : i32
    %scan3A_52 = arith.constant 1 : i32
    %scan3A_53 = scf.for %scan3A_56 = %scan3A_49 to %scan3A_51 step %scan3A_52 iter_args(%scan3A_57 = %scan3A_48) -> (i32)  : i32 {
      %mul3A_58 = arith.constant 80 : i32
      %mul3A_59 = arith.muli %add3A, %mul3A_58 : i32
      %add3A_60 = arith.addi %mul3A_59, %scan3A_56 : i32
      "tpu.region"() ({
        %run_scoped3A_75 = tpu.sem_alloc : memref<!tpu.dma_semaphore, #tpu.memory_space<semaphore_mem>>
        %dma_start3A_76 = arith.constant 0 : i32
        %dma_start3A_77 = arith.constant 0 : i32
        %dma_start3A_78 = tpu.memref_slice %arg3[%add3A_60, %dma_start3A_76, %dma_start3A_77] : memref<2560x2x128xi32, #tpu.memory_space<hbm>> -> memref<1x2x128xi32, #tpu.memory_space<hbm>>
        %dma_start3A_79 = tpu.memref_squeeze %dma_start3A_78 : memref<1x2x128xi32, #tpu.memory_space<hbm>> -> memref<2x128xi32, #tpu.memory_space<hbm>>
        %dma_start3A_80 = arith.constant 0 : i32
        %dma_start3A_81 = arith.constant 0 : i32
        %dma_start3A_82 = tpu.memref_slice %arg3[%add3A_60, %dma_start3A_80, %dma_start3A_81] : memref<2560x2x128xi32, #tpu.memory_space<hbm>> -> memref<1x2x128xi32, #tpu.memory_space<hbm>>
        %dma_start3A_83 = tpu.memref_squeeze %dma_start3A_82 : memref<1x2x128xi32, #tpu.memory_space<hbm>> -> memref<2x128xi32, #tpu.memory_space<hbm>>
        tpu.enqueue_dma source(%dma_start3A_83 : memref<2x128xi32, #tpu.memory_space<hbm>>) target(%arg6 : memref<2x128xi32, #tpu.memory_space<vmem>>) target_semaphore(%run_scoped3A_75 : memref<!tpu.dma_semaphore, #tpu.memory_space<semaphore_mem>>)
        %dma_wait3A_84 = arith.constant 0 : i32
        %dma_wait3A_85 = arith.constant 0 : i32
        %dma_wait3A_86 = tpu.memref_slice %arg3[%add3A_60, %dma_wait3A_84, %dma_wait3A_85] : memref<2560x2x128xi32, #tpu.memory_space<hbm>> -> memref<1x2x128xi32, #tpu.memory_space<hbm>>
        %dma_wait3A_87 = tpu.memref_squeeze %dma_wait3A_86 : memref<1x2x128xi32, #tpu.memory_space<hbm>> -> memref<2x128xi32, #tpu.memory_space<hbm>>
        %dma_wait3A_88 = arith.constant 0 : i32
        %dma_wait3A_89 = arith.constant 0 : i32
        %dma_wait3A_90 = tpu.memref_slice %arg3[%add3A_60, %dma_wait3A_88, %dma_wait3A_89] : memref<2560x2x128xi32, #tpu.memory_space<hbm>> -> memref<1x2x128xi32, #tpu.memory_space<hbm>>
        %dma_wait3A_91 = tpu.memref_squeeze %dma_wait3A_90 : memref<1x2x128xi32, #tpu.memory_space<hbm>> -> memref<2x128xi32, #tpu.memory_space<hbm>>
        tpu.wait_dma2 semaphore(%run_scoped3A_75 : memref<!tpu.dma_semaphore, #tpu.memory_space<semaphore_mem>>) src(%dma_wait3A_91 : memref<2x128xi32, #tpu.memory_space<hbm>>) dst(%arg6 : memref<2x128xi32, #tpu.memory_space<vmem>>)
        tpu.yield
      }) : () -> ()
      %dma_start3A = arith.constant 0 : i32
      %dma_start3A_61 = arith.constant 0 : i32
      %dma_start3A_62 = tpu.memref_slice %arg6[%dma_start3A, %dma_start3A_61] : memref<2x128xi32, #tpu.memory_space<vmem>> -> memref<1x128xi32, #tpu.memory_space<vmem>>
      %dma_start3A_63 = tpu.memref_squeeze %dma_start3A_62 : memref<1x128xi32, #tpu.memory_space<vmem>> -> memref<128xi32, #tpu.memory_space<vmem>>
      %dma_start3A_64 = arith.constant 0 : i32
      %dma_start3A_65 = arith.constant 0 : i32
      %dma_start3A_66 = tpu.memref_slice %arg2[%dma_start3A_64, %dma_start3A_65] : memref<10000x128xf32, #tpu.memory_space<hbm>> -> memref<10000x128xf32, #tpu.memory_space<hbm>>
      tpu.enqueue_indirect_dma source(%dma_start3A_66 : memref<10000x128xf32, #tpu.memory_space<hbm>>) target(%arg7 : memref<128x128xf32, #tpu.memory_space<vmem>>) offsets(%dma_start3A_63 : memref<128xi32, #tpu.memory_space<vmem>>) semaphore(%arg9 : memref<!tpu.dma_semaphore, #tpu.memory_space<semaphore_mem>>)
      %dma_wait3A = arith.constant 0 : i32
      %dma_wait3A_67 = arith.constant 0 : i32
      %dma_wait3A_68 = tpu.memref_slice %arg6[%dma_wait3A, %dma_wait3A_67] : memref<2x128xi32, #tpu.memory_space<vmem>> -> memref<1x128xi32, #tpu.memory_space<vmem>>
      %dma_wait3A_69 = tpu.memref_squeeze %dma_wait3A_68 : memref<1x128xi32, #tpu.memory_space<vmem>> -> memref<128xi32, #tpu.memory_space<vmem>>
      %dma_wait3A_70 = arith.constant 0 : i32
      %dma_wait3A_71 = arith.constant 0 : i32
      %dma_wait3A_72 = tpu.memref_slice %arg2[%dma_wait3A_70, %dma_wait3A_71] : memref<10000x128xf32, #tpu.memory_space<hbm>> -> memref<10000x128xf32, #tpu.memory_space<hbm>>
      tpu.wait_indirect_dma semaphore(%arg9 : memref<!tpu.dma_semaphore, #tpu.memory_space<semaphore_mem>>) src(%dma_wait3A_72 : memref<10000x128xf32, #tpu.memory_space<hbm>>) dst(%arg7 : memref<128x128xf32, #tpu.memory_space<vmem>>)
      %run_scoped3A = arith.constant 1 : i32
      "tpu.region"() ({
        %run_scoped3A_75 = tpu.sem_alloc : memref<!tpu.dma_semaphore, #tpu.memory_space<semaphore_mem>>
        %dma_start3A_76 = arith.constant 0 : i32
        %dma_start3A_77 = tpu.memref_slice %arg6[%run_scoped3A, %dma_start3A_76] : memref<2x128xi32, #tpu.memory_space<vmem>> -> memref<1x128xi32, #tpu.memory_space<vmem>>
        %dma_start3A_78 = tpu.memref_squeeze %dma_start3A_77 : memref<1x128xi32, #tpu.memory_space<vmem>> -> memref<128xi32, #tpu.memory_space<vmem>>
        %dma_start3A_79 = arith.constant 0 : i32
        %dma_start3A_80 = arith.constant 0 : i32
        %dma_start3A_81 = tpu.memref_slice %arg8[%dma_start3A_79, %dma_start3A_80] : memref<10240x128xf32, #tpu.memory_space<vmem_shared>> -> memref<10240x128xf32, #tpu.memory_space<vmem_shared>>
        tpu.enqueue_indirect_dma source(%arg7 : memref<128x128xf32, #tpu.memory_space<vmem>>) target(%dma_start3A_81 : memref<10240x128xf32, #tpu.memory_space<vmem_shared>>) offsets(%dma_start3A_78 : memref<128xi32, #tpu.memory_space<vmem>>) semaphore(%run_scoped3A_75 : memref<!tpu.dma_semaphore, #tpu.memory_space<semaphore_mem>>) {add = true}
        %dma_wait3A_82 = arith.constant 0 : i32
        %dma_wait3A_83 = tpu.memref_slice %arg6[%run_scoped3A, %dma_wait3A_82] : memref<2x128xi32, #tpu.memory_space<vmem>> -> memref<1x128xi32, #tpu.memory_space<vmem>>
        %dma_wait3A_84 = tpu.memref_squeeze %dma_wait3A_83 : memref<1x128xi32, #tpu.memory_space<vmem>> -> memref<128xi32, #tpu.memory_space<vmem>>
        %dma_wait3A_85 = arith.constant 0 : i32
        %dma_wait3A_86 = arith.constant 0 : i32
        %dma_wait3A_87 = tpu.memref_slice %arg8[%dma_wait3A_85, %dma_wait3A_86] : memref<10240x128xf32, #tpu.memory_space<vmem_shared>> -> memref<10240x128xf32, #tpu.memory_space<vmem_shared>>
        tpu.wait_indirect_dma semaphore(%run_scoped3A_75 : memref<!tpu.dma_semaphore, #tpu.memory_space<semaphore_mem>>) src(%arg7 : memref<128x128xf32, #tpu.memory_space<vmem>>) dst(%dma_wait3A_87 : memref<10240x128xf32, #tpu.memory_space<vmem_shared>>)
        tpu.yield
      }) : () -> ()
      %run_scoped3A_73 = arith.constant 1 : i32
      "tpu.region"() ({
        %run_scoped3A_75 = tpu.sem_alloc : memref<!tpu.dma_semaphore, #tpu.memory_space<semaphore_mem>>
        %dma_start3A_76 = arith.constant 0 : i32
        %dma_start3A_77 = tpu.memref_slice %arg6[%run_scoped3A_73, %dma_start3A_76] : memref<2x128xi32, #tpu.memory_space<vmem>> -> memref<1x128xi32, #tpu.memory_space<vmem>>
        %dma_start3A_78 = tpu.memref_squeeze %dma_start3A_77 : memref<1x128xi32, #tpu.memory_space<vmem>> -> memref<128xi32, #tpu.memory_space<vmem>>
        %dma_start3A_79 = arith.constant 0 : i32
        %dma_start3A_80 = arith.constant 0 : i32
        %dma_start3A_81 = tpu.memref_slice %arg11[%dma_start3A_79, %dma_start3A_80] : memref<10240x16xf32, #tpu.memory_space<vmem_shared>> -> memref<10240x16xf32, #tpu.memory_space<vmem_shared>>
        tpu.enqueue_indirect_dma source(%arg10 : memref<128x16xf32, #tpu.memory_space<vmem>>) target(%dma_start3A_81 : memref<10240x16xf32, #tpu.memory_space<vmem_shared>>) offsets(%dma_start3A_78 : memref<128xi32, #tpu.memory_space<vmem>>) semaphore(%run_scoped3A_75 : memref<!tpu.dma_semaphore, #tpu.memory_space<semaphore_mem>>) {add = true}
        %dma_wait3A_82 = arith.constant 0 : i32
        %dma_wait3A_83 = tpu.memref_slice %arg6[%run_scoped3A_73, %dma_wait3A_82] : memref<2x128xi32, #tpu.memory_space<vmem>> -> memref<1x128xi32, #tpu.memory_space<vmem>>
        %dma_wait3A_84 = tpu.memref_squeeze %dma_wait3A_83 : memref<1x128xi32, #tpu.memory_space<vmem>> -> memref<128xi32, #tpu.memory_space<vmem>>
        %dma_wait3A_85 = arith.constant 0 : i32
        %dma_wait3A_86 = arith.constant 0 : i32
        %dma_wait3A_87 = tpu.memref_slice %arg11[%dma_wait3A_85, %dma_wait3A_86] : memref<10240x16xf32, #tpu.memory_space<vmem_shared>> -> memref<10240x16xf32, #tpu.memory_space<vmem_shared>>
        tpu.wait_indirect_dma semaphore(%run_scoped3A_75 : memref<!tpu.dma_semaphore, #tpu.memory_space<semaphore_mem>>) src(%arg10 : memref<128x16xf32, #tpu.memory_space<vmem>>) dst(%dma_wait3A_87 : memref<10240x16xf32, #tpu.memory_space<vmem_shared>>)
        tpu.yield
      }) : () -> ()
      %scan3A_74 = arith.constant 0 : i32
      scf.yield %scan3A_74 : i32
    }
    %scan3A_54 = arith.constant 80 : i32
    %barrier3A_55 = arith.constant 0 : index
    tpu.barrier barrier_id(%barrier3A_55)
    "tpu.region"() ({
      %run_scoped3A = tpu.sem_alloc : memref<!tpu.dma_semaphore, #tpu.memory_space<semaphore_mem>>
      %dma_start3A = arith.constant 0 : i32
      %dma_start3A_56 = tpu.memref_slice %arg4[%arg0, %mul3A_2, %dma_start3A] : memref<2x10240x128xf32, #tpu.memory_space<hbm>> -> memref<1x640x128xf32, #tpu.memory_space<hbm>>
      %dma_start3A_57 = tpu.memref_squeeze %dma_start3A_56 : memref<1x640x128xf32, #tpu.memory_space<hbm>> -> memref<640x128xf32, #tpu.memory_space<hbm>>
      %dma_start3A_58 = arith.constant 0 : i32
      %dma_start3A_59 = tpu.memref_slice %arg8[%mul3A_2, %dma_start3A_58] : memref<10240x128xf32, #tpu.memory_space<vmem_shared>> -> memref<640x128xf32, #tpu.memory_space<vmem_shared>>
      tpu.enqueue_dma source(%dma_start3A_59 : memref<640x128xf32, #tpu.memory_space<vmem_shared>>) target(%dma_start3A_57 : memref<640x128xf32, #tpu.memory_space<hbm>>) target_semaphore(%run_scoped3A : memref<!tpu.dma_semaphore, #tpu.memory_space<semaphore_mem>>)
      %dma_wait3A = arith.constant 0 : i32
      %dma_wait3A_60 = tpu.memref_slice %arg4[%arg0, %mul3A_2, %dma_wait3A] : memref<2x10240x128xf32, #tpu.memory_space<hbm>> -> memref<1x640x128xf32, #tpu.memory_space<hbm>>
      %dma_wait3A_61 = tpu.memref_squeeze %dma_wait3A_60 : memref<1x640x128xf32, #tpu.memory_space<hbm>> -> memref<640x128xf32, #tpu.memory_space<hbm>>
      %dma_wait3A_62 = arith.constant 0 : i32
      %dma_wait3A_63 = tpu.memref_slice %arg8[%mul3A_2, %dma_wait3A_62] : memref<10240x128xf32, #tpu.memory_space<vmem_shared>> -> memref<640x128xf32, #tpu.memory_space<vmem_shared>>
      tpu.wait_dma2 semaphore(%run_scoped3A : memref<!tpu.dma_semaphore, #tpu.memory_space<semaphore_mem>>) src(%dma_wait3A_63 : memref<640x128xf32, #tpu.memory_space<vmem_shared>>) dst(%dma_wait3A_61 : memref<640x128xf32, #tpu.memory_space<hbm>>)
      tpu.yield
    }) : () -> ()
    "tpu.region"() ({
      %run_scoped3A = tpu.sem_alloc : memref<!tpu.dma_semaphore, #tpu.memory_space<semaphore_mem>>
      %dma_start3A = arith.constant 0 : i32
      %dma_start3A_56 = tpu.memref_slice %arg5[%arg0, %mul3A_2, %dma_start3A] : memref<2x10240x16xf32, #tpu.memory_space<hbm>> -> memref<1x640x16xf32, #tpu.memory_space<hbm>>
      %dma_start3A_57 = tpu.memref_squeeze %dma_start3A_56 : memref<1x640x16xf32, #tpu.memory_space<hbm>> -> memref<640x16xf32, #tpu.memory_space<hbm>>
      %dma_start3A_58 = arith.constant 0 : i32
      %dma_start3A_59 = tpu.memref_slice %arg11[%mul3A_2, %dma_start3A_58] : memref<10240x16xf32, #tpu.memory_space<vmem_shared>> -> memref<640x16xf32, #tpu.memory_space<vmem_shared>>
      tpu.enqueue_dma source(%dma_start3A_59 : memref<640x16xf32, #tpu.memory_space<vmem_shared>>) target(%dma_start3A_57 : memref<640x16xf32, #tpu.memory_space<hbm>>) target_semaphore(%run_scoped3A : memref<!tpu.dma_semaphore, #tpu.memory_space<semaphore_mem>>)
      %dma_wait3A = arith.constant 0 : i32
      %dma_wait3A_60 = tpu.memref_slice %arg5[%arg0, %mul3A_2, %dma_wait3A] : memref<2x10240x16xf32, #tpu.memory_space<hbm>> -> memref<1x640x16xf32, #tpu.memory_space<hbm>>
      %dma_wait3A_61 = tpu.memref_squeeze %dma_wait3A_60 : memref<1x640x16xf32, #tpu.memory_space<hbm>> -> memref<640x16xf32, #tpu.memory_space<hbm>>
      %dma_wait3A_62 = arith.constant 0 : i32
      %dma_wait3A_63 = tpu.memref_slice %arg11[%mul3A_2, %dma_wait3A_62] : memref<10240x16xf32, #tpu.memory_space<vmem_shared>> -> memref<640x16xf32, #tpu.memory_space<vmem_shared>>
      tpu.wait_dma2 semaphore(%run_scoped3A : memref<!tpu.dma_semaphore, #tpu.memory_space<semaphore_mem>>) src(%dma_wait3A_63 : memref<640x16xf32, #tpu.memory_space<vmem_shared>>) dst(%dma_wait3A_61 : memref<640x16xf32, #tpu.memory_space<hbm>>)
      tpu.yield
    }) : () -> ()
    return
  }
}

#map = affine_map<(d0, d1) -> (0, 0)>
#map1 = affine_map<(d0, d1) -> (0, 0, 0)>
module attributes {stable_mosaic.version = 14 : i64} {
  func.func @body(%arg0: i32, %arg1: i32, %arg2: memref<10000x128xf32, #tpu.memory_space<hbm>>, %arg3: memref<2560x2x128xi32, #tpu.memory_space<hbm>>, %arg4: memref<2x10240x128xf32, #tpu.memory_space<hbm>>, %arg5: memref<2x128xi32, #tpu.memory_space<vmem>>, %arg6: memref<128x128xf32, #tpu.memory_space<vmem>>, %arg7: memref<10240x128xf32, #tpu.memory_space<vmem_shared>>, %arg8: memref<!tpu.dma_semaphore, #tpu.memory_space<semaphore_mem>>) attributes {dimension_semantics = [#tpu.dimension_semantics<core_parallel>, #tpu.dimension_semantics<subcore_parallel>], iteration_bounds = array<i64: 2, 16>, scalar_prefetch = 0 : i64, scratch_operands = 4 : i64, tpu.core_type = #tpu.core_type<sc_vector_subcore>, window_params = [{transform_indices = #map}, {transform_indices = #map1}, {transform_indices = #map1}]} {
    %mul3A = arith.constant 16 : i32
    %mul3A_0 = arith.muli %arg0, %mul3A : i32
    %add3A = arith.addi %mul3A_0, %arg1 : i32
    %mul3A_1 = arith.constant 640 : i32
    %mul3A_2 = arith.muli %arg1, %mul3A_1 : i32
    %broadcast_in_dim3A = arith.constant 0.000000e+00 : f32
    %broadcast_in_dim3A_3 = vector.broadcast %broadcast_in_dim3A : f32 to vector<16xf32>
    %scan3A = arith.constant 0 : i32
    %scan3A_4 = arith.constant 0 : i32
    %scan3A_5 = arith.constant 128 : i32
    %scan3A_6 = arith.addi %scan3A_4, %scan3A_5 : i32
    %scan3A_7 = arith.constant 1 : i32
    %scan3A_8 = scf.for %scan3A_28 = %scan3A_4 to %scan3A_6 step %scan3A_7 iter_args(%scan3A_29 = %scan3A) -> (i32)  : i32 {
      %swap3A = arith.index_cast %scan3A_28 : i32 to index
      %swap3A_30 = arith.constant 0 : index
      %swap3A_31 = tpu.vector_load %arg6[%swap3A, %swap3A_30] {strides = array<i32>} : memref<128x128xf32, #tpu.memory_space<vmem>>, vector<1x16xf32>,
      %swap3A_32 = vector.shape_cast %swap3A_31 : vector<1x16xf32> to vector<16xf32>
      %swap3A_33 = vector.shape_cast %broadcast_in_dim3A_3 : vector<16xf32> to vector<1x16xf32>
      tpu.vector_store %arg6[%swap3A, %swap3A_30], %swap3A_33 {strides = array<i32>} : memref<128x128xf32, #tpu.memory_space<vmem>>, vector<1x16xf32>,
      %swap3A_34 = arith.index_cast %scan3A_28 : i32 to index
      %swap3A_35 = arith.constant 16 : index
      %swap3A_36 = tpu.vector_load %arg6[%swap3A_34, %swap3A_35] {strides = array<i32>} : memref<128x128xf32, #tpu.memory_space<vmem>>, vector<1x16xf32>,
      %swap3A_37 = vector.shape_cast %swap3A_36 : vector<1x16xf32> to vector<16xf32>
      %swap3A_38 = vector.shape_cast %broadcast_in_dim3A_3 : vector<16xf32> to vector<1x16xf32>
      tpu.vector_store %arg6[%swap3A_34, %swap3A_35], %swap3A_38 {strides = array<i32>} : memref<128x128xf32, #tpu.memory_space<vmem>>, vector<1x16xf32>,
      %swap3A_39 = arith.index_cast %scan3A_28 : i32 to index
      %swap3A_40 = arith.constant 32 : index
      %swap3A_41 = tpu.vector_load %arg6[%swap3A_39, %swap3A_40] {strides = array<i32>} : memref<128x128xf32, #tpu.memory_space<vmem>>, vector<1x16xf32>,
      %swap3A_42 = vector.shape_cast %swap3A_41 : vector<1x16xf32> to vector<16xf32>
      %swap3A_43 = vector.shape_cast %broadcast_in_dim3A_3 : vector<16xf32> to vector<1x16xf32>
      tpu.vector_store %arg6[%swap3A_39, %swap3A_40], %swap3A_43 {strides = array<i32>} : memref<128x128xf32, #tpu.memory_space<vmem>>, vector<1x16xf32>,
      %swap3A_44 = arith.index_cast %scan3A_28 : i32 to index
      %swap3A_45 = arith.constant 48 : index
      %swap3A_46 = tpu.vector_load %arg6[%swap3A_44, %swap3A_45] {strides = array<i32>} : memref<128x128xf32, #tpu.memory_space<vmem>>, vector<1x16xf32>,
      %swap3A_47 = vector.shape_cast %swap3A_46 : vector<1x16xf32> to vector<16xf32>
      %swap3A_48 = vector.shape_cast %broadcast_in_dim3A_3 : vector<16xf32> to vector<1x16xf32>
      tpu.vector_store %arg6[%swap3A_44, %swap3A_45], %swap3A_48 {strides = array<i32>} : memref<128x128xf32, #tpu.memory_space<vmem>>, vector<1x16xf32>,
      %swap3A_49 = arith.index_cast %scan3A_28 : i32 to index
      %swap3A_50 = arith.constant 64 : index
      %swap3A_51 = tpu.vector_load %arg6[%swap3A_49, %swap3A_50] {strides = array<i32>} : memref<128x128xf32, #tpu.memory_space<vmem>>, vector<1x16xf32>,
      %swap3A_52 = vector.shape_cast %swap3A_51 : vector<1x16xf32> to vector<16xf32>
      %swap3A_53 = vector.shape_cast %broadcast_in_dim3A_3 : vector<16xf32> to vector<1x16xf32>
      tpu.vector_store %arg6[%swap3A_49, %swap3A_50], %swap3A_53 {strides = array<i32>} : memref<128x128xf32, #tpu.memory_space<vmem>>, vector<1x16xf32>,
      %swap3A_54 = arith.index_cast %scan3A_28 : i32 to index
      %swap3A_55 = arith.constant 80 : index
      %swap3A_56 = tpu.vector_load %arg6[%swap3A_54, %swap3A_55] {strides = array<i32>} : memref<128x128xf32, #tpu.memory_space<vmem>>, vector<1x16xf32>,
      %swap3A_57 = vector.shape_cast %swap3A_56 : vector<1x16xf32> to vector<16xf32>
      %swap3A_58 = vector.shape_cast %broadcast_in_dim3A_3 : vector<16xf32> to vector<1x16xf32>
      tpu.vector_store %arg6[%swap3A_54, %swap3A_55], %swap3A_58 {strides = array<i32>} : memref<128x128xf32, #tpu.memory_space<vmem>>, vector<1x16xf32>,
      %swap3A_59 = arith.index_cast %scan3A_28 : i32 to index
      %swap3A_60 = arith.constant 96 : index
      %swap3A_61 = tpu.vector_load %arg6[%swap3A_59, %swap3A_60] {strides = array<i32>} : memref<128x128xf32, #tpu.memory_space<vmem>>, vector<1x16xf32>,
      %swap3A_62 = vector.shape_cast %swap3A_61 : vector<1x16xf32> to vector<16xf32>
      %swap3A_63 = vector.shape_cast %broadcast_in_dim3A_3 : vector<16xf32> to vector<1x16xf32>
      tpu.vector_store %arg6[%swap3A_59, %swap3A_60], %swap3A_63 {strides = array<i32>} : memref<128x128xf32, #tpu.memory_space<vmem>>, vector<1x16xf32>,
      %swap3A_64 = arith.index_cast %scan3A_28 : i32 to index
      %swap3A_65 = arith.constant 112 : index
      %swap3A_66 = tpu.vector_load %arg6[%swap3A_64, %swap3A_65] {strides = array<i32>} : memref<128x128xf32, #tpu.memory_space<vmem>>, vector<1x16xf32>,
      %swap3A_67 = vector.shape_cast %swap3A_66 : vector<1x16xf32> to vector<16xf32>
      %swap3A_68 = vector.shape_cast %broadcast_in_dim3A_3 : vector<16xf32> to vector<1x16xf32>
      tpu.vector_store %arg6[%swap3A_64, %swap3A_65], %swap3A_68 {strides = array<i32>} : memref<128x128xf32, #tpu.memory_space<vmem>>, vector<1x16xf32>,
      %scan3A_69 = arith.constant 0 : i32
      scf.yield %scan3A_69 : i32
    }
    %scan3A_9 = arith.constant 128 : i32
    %add3A_10 = arith.constant 0 : i32
    %add3A_11 = arith.addi %mul3A_2, %add3A_10 : i32
    "tpu.region"() ({
      %run_scoped3A = tpu.sem_alloc : memref<!tpu.dma_semaphore, #tpu.memory_space<semaphore_mem>>
      %dma_start3A = arith.constant 0 : i32
      %dma_start3A_28 = tpu.memref_slice %arg7[%add3A_11, %dma_start3A] : memref<10240x128xf32, #tpu.memory_space<vmem_shared>> -> memref<128x128xf32, #tpu.memory_space<vmem_shared>>
      %dma_start3A_29 = arith.constant 0 : i32
      %dma_start3A_30 = tpu.memref_slice %arg7[%add3A_11, %dma_start3A_29] : memref<10240x128xf32, #tpu.memory_space<vmem_shared>> -> memref<128x128xf32, #tpu.memory_space<vmem_shared>>
      tpu.enqueue_dma source(%arg6 : memref<128x128xf32, #tpu.memory_space<vmem>>) target(%dma_start3A_30 : memref<128x128xf32, #tpu.memory_space<vmem_shared>>) target_semaphore(%run_scoped3A : memref<!tpu.dma_semaphore, #tpu.memory_space<semaphore_mem>>)
      %dma_wait3A = arith.constant 0 : i32
      %dma_wait3A_31 = tpu.memref_slice %arg7[%add3A_11, %dma_wait3A] : memref<10240x128xf32, #tpu.memory_space<vmem_shared>> -> memref<128x128xf32, #tpu.memory_space<vmem_shared>>
      %dma_wait3A_32 = arith.constant 0 : i32
      %dma_wait3A_33 = tpu.memref_slice %arg7[%add3A_11, %dma_wait3A_32] : memref<10240x128xf32, #tpu.memory_space<vmem_shared>> -> memref<128x128xf32, #tpu.memory_space<vmem_shared>>
      tpu.wait_dma2 semaphore(%run_scoped3A : memref<!tpu.dma_semaphore, #tpu.memory_space<semaphore_mem>>) src(%arg6 : memref<128x128xf32, #tpu.memory_space<vmem>>) dst(%dma_wait3A_33 : memref<128x128xf32, #tpu.memory_space<vmem_shared>>)
      tpu.yield
    }) : () -> ()
    %add3A_12 = arith.constant 128 : i32
    %add3A_13 = arith.addi %mul3A_2, %add3A_12 : i32
    "tpu.region"() ({
      %run_scoped3A = tpu.sem_alloc : memref<!tpu.dma_semaphore, #tpu.memory_space<semaphore_mem>>
      %dma_start3A = arith.constant 0 : i32
      %dma_start3A_28 = tpu.memref_slice %arg7[%add3A_13, %dma_start3A] : memref<10240x128xf32, #tpu.memory_space<vmem_shared>> -> memref<128x128xf32, #tpu.memory_space<vmem_shared>>
      %dma_start3A_29 = arith.constant 0 : i32
      %dma_start3A_30 = tpu.memref_slice %arg7[%add3A_13, %dma_start3A_29] : memref<10240x128xf32, #tpu.memory_space<vmem_shared>> -> memref<128x128xf32, #tpu.memory_space<vmem_shared>>
      tpu.enqueue_dma source(%arg6 : memref<128x128xf32, #tpu.memory_space<vmem>>) target(%dma_start3A_30 : memref<128x128xf32, #tpu.memory_space<vmem_shared>>) target_semaphore(%run_scoped3A : memref<!tpu.dma_semaphore, #tpu.memory_space<semaphore_mem>>)
      %dma_wait3A = arith.constant 0 : i32
      %dma_wait3A_31 = tpu.memref_slice %arg7[%add3A_13, %dma_wait3A] : memref<10240x128xf32, #tpu.memory_space<vmem_shared>> -> memref<128x128xf32, #tpu.memory_space<vmem_shared>>
      %dma_wait3A_32 = arith.constant 0 : i32
      %dma_wait3A_33 = tpu.memref_slice %arg7[%add3A_13, %dma_wait3A_32] : memref<10240x128xf32, #tpu.memory_space<vmem_shared>> -> memref<128x128xf32, #tpu.memory_space<vmem_shared>>
      tpu.wait_dma2 semaphore(%run_scoped3A : memref<!tpu.dma_semaphore, #tpu.memory_space<semaphore_mem>>) src(%arg6 : memref<128x128xf32, #tpu.memory_space<vmem>>) dst(%dma_wait3A_33 : memref<128x128xf32, #tpu.memory_space<vmem_shared>>)
      tpu.yield
    }) : () -> ()
    %add3A_14 = arith.constant 256 : i32
    %add3A_15 = arith.addi %mul3A_2, %add3A_14 : i32
    "tpu.region"() ({
      %run_scoped3A = tpu.sem_alloc : memref<!tpu.dma_semaphore, #tpu.memory_space<semaphore_mem>>
      %dma_start3A = arith.constant 0 : i32
      %dma_start3A_28 = tpu.memref_slice %arg7[%add3A_15, %dma_start3A] : memref<10240x128xf32, #tpu.memory_space<vmem_shared>> -> memref<128x128xf32, #tpu.memory_space<vmem_shared>>
      %dma_start3A_29 = arith.constant 0 : i32
      %dma_start3A_30 = tpu.memref_slice %arg7[%add3A_15, %dma_start3A_29] : memref<10240x128xf32, #tpu.memory_space<vmem_shared>> -> memref<128x128xf32, #tpu.memory_space<vmem_shared>>
      tpu.enqueue_dma source(%arg6 : memref<128x128xf32, #tpu.memory_space<vmem>>) target(%dma_start3A_30 : memref<128x128xf32, #tpu.memory_space<vmem_shared>>) target_semaphore(%run_scoped3A : memref<!tpu.dma_semaphore, #tpu.memory_space<semaphore_mem>>)
      %dma_wait3A = arith.constant 0 : i32
      %dma_wait3A_31 = tpu.memref_slice %arg7[%add3A_15, %dma_wait3A] : memref<10240x128xf32, #tpu.memory_space<vmem_shared>> -> memref<128x128xf32, #tpu.memory_space<vmem_shared>>
      %dma_wait3A_32 = arith.constant 0 : i32
      %dma_wait3A_33 = tpu.memref_slice %arg7[%add3A_15, %dma_wait3A_32] : memref<10240x128xf32, #tpu.memory_space<vmem_shared>> -> memref<128x128xf32, #tpu.memory_space<vmem_shared>>
      tpu.wait_dma2 semaphore(%run_scoped3A : memref<!tpu.dma_semaphore, #tpu.memory_space<semaphore_mem>>) src(%arg6 : memref<128x128xf32, #tpu.memory_space<vmem>>) dst(%dma_wait3A_33 : memref<128x128xf32, #tpu.memory_space<vmem_shared>>)
      tpu.yield
    }) : () -> ()
    %add3A_16 = arith.constant 384 : i32
    %add3A_17 = arith.addi %mul3A_2, %add3A_16 : i32
    "tpu.region"() ({
      %run_scoped3A = tpu.sem_alloc : memref<!tpu.dma_semaphore, #tpu.memory_space<semaphore_mem>>
      %dma_start3A = arith.constant 0 : i32
      %dma_start3A_28 = tpu.memref_slice %arg7[%add3A_17, %dma_start3A] : memref<10240x128xf32, #tpu.memory_space<vmem_shared>> -> memref<128x128xf32, #tpu.memory_space<vmem_shared>>
      %dma_start3A_29 = arith.constant 0 : i32
      %dma_start3A_30 = tpu.memref_slice %arg7[%add3A_17, %dma_start3A_29] : memref<10240x128xf32, #tpu.memory_space<vmem_shared>> -> memref<128x128xf32, #tpu.memory_space<vmem_shared>>
      tpu.enqueue_dma source(%arg6 : memref<128x128xf32, #tpu.memory_space<vmem>>) target(%dma_start3A_30 : memref<128x128xf32, #tpu.memory_space<vmem_shared>>) target_semaphore(%run_scoped3A : memref<!tpu.dma_semaphore, #tpu.memory_space<semaphore_mem>>)
      %dma_wait3A = arith.constant 0 : i32
      %dma_wait3A_31 = tpu.memref_slice %arg7[%add3A_17, %dma_wait3A] : memref<10240x128xf32, #tpu.memory_space<vmem_shared>> -> memref<128x128xf32, #tpu.memory_space<vmem_shared>>
      %dma_wait3A_32 = arith.constant 0 : i32
      %dma_wait3A_33 = tpu.memref_slice %arg7[%add3A_17, %dma_wait3A_32] : memref<10240x128xf32, #tpu.memory_space<vmem_shared>> -> memref<128x128xf32, #tpu.memory_space<vmem_shared>>
      tpu.wait_dma2 semaphore(%run_scoped3A : memref<!tpu.dma_semaphore, #tpu.memory_space<semaphore_mem>>) src(%arg6 : memref<128x128xf32, #tpu.memory_space<vmem>>) dst(%dma_wait3A_33 : memref<128x128xf32, #tpu.memory_space<vmem_shared>>)
      tpu.yield
    }) : () -> ()
    %add3A_18 = arith.constant 512 : i32
    %add3A_19 = arith.addi %mul3A_2, %add3A_18 : i32
    "tpu.region"() ({
      %run_scoped3A = tpu.sem_alloc : memref<!tpu.dma_semaphore, #tpu.memory_space<semaphore_mem>>
      %dma_start3A = arith.constant 0 : i32
      %dma_start3A_28 = tpu.memref_slice %arg7[%add3A_19, %dma_start3A] : memref<10240x128xf32, #tpu.memory_space<vmem_shared>> -> memref<128x128xf32, #tpu.memory_space<vmem_shared>>
      %dma_start3A_29 = arith.constant 0 : i32
      %dma_start3A_30 = tpu.memref_slice %arg7[%add3A_19, %dma_start3A_29] : memref<10240x128xf32, #tpu.memory_space<vmem_shared>> -> memref<128x128xf32, #tpu.memory_space<vmem_shared>>
      tpu.enqueue_dma source(%arg6 : memref<128x128xf32, #tpu.memory_space<vmem>>) target(%dma_start3A_30 : memref<128x128xf32, #tpu.memory_space<vmem_shared>>) target_semaphore(%run_scoped3A : memref<!tpu.dma_semaphore, #tpu.memory_space<semaphore_mem>>)
      %dma_wait3A = arith.constant 0 : i32
      %dma_wait3A_31 = tpu.memref_slice %arg7[%add3A_19, %dma_wait3A] : memref<10240x128xf32, #tpu.memory_space<vmem_shared>> -> memref<128x128xf32, #tpu.memory_space<vmem_shared>>
      %dma_wait3A_32 = arith.constant 0 : i32
      %dma_wait3A_33 = tpu.memref_slice %arg7[%add3A_19, %dma_wait3A_32] : memref<10240x128xf32, #tpu.memory_space<vmem_shared>> -> memref<128x128xf32, #tpu.memory_space<vmem_shared>>
      tpu.wait_dma2 semaphore(%run_scoped3A : memref<!tpu.dma_semaphore, #tpu.memory_space<semaphore_mem>>) src(%arg6 : memref<128x128xf32, #tpu.memory_space<vmem>>) dst(%dma_wait3A_33 : memref<128x128xf32, #tpu.memory_space<vmem_shared>>)
      tpu.yield
    }) : () -> ()
    %barrier3A = arith.constant 0 : index
    tpu.barrier barrier_id(%barrier3A)
    %scan3A_20 = arith.constant 0 : i32
    %scan3A_21 = arith.constant 0 : i32
    %scan3A_22 = arith.constant 80 : i32
    %scan3A_23 = arith.addi %scan3A_21, %scan3A_22 : i32
    %scan3A_24 = arith.constant 1 : i32
    %scan3A_25 = scf.for %scan3A_28 = %scan3A_21 to %scan3A_23 step %scan3A_24 iter_args(%scan3A_29 = %scan3A_20) -> (i32)  : i32 {
      %mul3A_30 = arith.constant 80 : i32
      %mul3A_31 = arith.muli %add3A, %mul3A_30 : i32
      %add3A_32 = arith.addi %mul3A_31, %scan3A_28 : i32
      "tpu.region"() ({
        %run_scoped3A_46 = tpu.sem_alloc : memref<!tpu.dma_semaphore, #tpu.memory_space<semaphore_mem>>
        %dma_start3A_47 = arith.constant 0 : i32
        %dma_start3A_48 = arith.constant 0 : i32
        %dma_start3A_49 = tpu.memref_slice %arg3[%add3A_32, %dma_start3A_47, %dma_start3A_48] : memref<2560x2x128xi32, #tpu.memory_space<hbm>> -> memref<1x2x128xi32, #tpu.memory_space<hbm>>
        %dma_start3A_50 = tpu.memref_squeeze %dma_start3A_49 : memref<1x2x128xi32, #tpu.memory_space<hbm>> -> memref<2x128xi32, #tpu.memory_space<hbm>>
        %dma_start3A_51 = arith.constant 0 : i32
        %dma_start3A_52 = arith.constant 0 : i32
        %dma_start3A_53 = tpu.memref_slice %arg3[%add3A_32, %dma_start3A_51, %dma_start3A_52] : memref<2560x2x128xi32, #tpu.memory_space<hbm>> -> memref<1x2x128xi32, #tpu.memory_space<hbm>>
        %dma_start3A_54 = tpu.memref_squeeze %dma_start3A_53 : memref<1x2x128xi32, #tpu.memory_space<hbm>> -> memref<2x128xi32, #tpu.memory_space<hbm>>
        tpu.enqueue_dma source(%dma_start3A_54 : memref<2x128xi32, #tpu.memory_space<hbm>>) target(%arg5 : memref<2x128xi32, #tpu.memory_space<vmem>>) target_semaphore(%run_scoped3A_46 : memref<!tpu.dma_semaphore, #tpu.memory_space<semaphore_mem>>)
        %dma_wait3A_55 = arith.constant 0 : i32
        %dma_wait3A_56 = arith.constant 0 : i32
        %dma_wait3A_57 = tpu.memref_slice %arg3[%add3A_32, %dma_wait3A_55, %dma_wait3A_56] : memref<2560x2x128xi32, #tpu.memory_space<hbm>> -> memref<1x2x128xi32, #tpu.memory_space<hbm>>
        %dma_wait3A_58 = tpu.memref_squeeze %dma_wait3A_57 : memref<1x2x128xi32, #tpu.memory_space<hbm>> -> memref<2x128xi32, #tpu.memory_space<hbm>>
        %dma_wait3A_59 = arith.constant 0 : i32
        %dma_wait3A_60 = arith.constant 0 : i32
        %dma_wait3A_61 = tpu.memref_slice %arg3[%add3A_32, %dma_wait3A_59, %dma_wait3A_60] : memref<2560x2x128xi32, #tpu.memory_space<hbm>> -> memref<1x2x128xi32, #tpu.memory_space<hbm>>
        %dma_wait3A_62 = tpu.memref_squeeze %dma_wait3A_61 : memref<1x2x128xi32, #tpu.memory_space<hbm>> -> memref<2x128xi32, #tpu.memory_space<hbm>>
        tpu.wait_dma2 semaphore(%run_scoped3A_46 : memref<!tpu.dma_semaphore, #tpu.memory_space<semaphore_mem>>) src(%dma_wait3A_62 : memref<2x128xi32, #tpu.memory_space<hbm>>) dst(%arg5 : memref<2x128xi32, #tpu.memory_space<vmem>>)
        tpu.yield
      }) : () -> ()
      %dma_start3A = arith.constant 0 : i32
      %dma_start3A_33 = arith.constant 0 : i32
      %dma_start3A_34 = tpu.memref_slice %arg5[%dma_start3A, %dma_start3A_33] : memref<2x128xi32, #tpu.memory_space<vmem>> -> memref<1x128xi32, #tpu.memory_space<vmem>>
      %dma_start3A_35 = tpu.memref_squeeze %dma_start3A_34 : memref<1x128xi32, #tpu.memory_space<vmem>> -> memref<128xi32, #tpu.memory_space<vmem>>
      %dma_start3A_36 = arith.constant 0 : i32
      %dma_start3A_37 = arith.constant 0 : i32
      %dma_start3A_38 = tpu.memref_slice %arg2[%dma_start3A_36, %dma_start3A_37] : memref<10000x128xf32, #tpu.memory_space<hbm>> -> memref<10000x128xf32, #tpu.memory_space<hbm>>
      tpu.enqueue_indirect_dma source(%dma_start3A_38 : memref<10000x128xf32, #tpu.memory_space<hbm>>) target(%arg6 : memref<128x128xf32, #tpu.memory_space<vmem>>) offsets(%dma_start3A_35 : memref<128xi32, #tpu.memory_space<vmem>>) semaphore(%arg8 : memref<!tpu.dma_semaphore, #tpu.memory_space<semaphore_mem>>)
      %dma_wait3A = arith.constant 0 : i32
      %dma_wait3A_39 = arith.constant 0 : i32
      %dma_wait3A_40 = tpu.memref_slice %arg5[%dma_wait3A, %dma_wait3A_39] : memref<2x128xi32, #tpu.memory_space<vmem>> -> memref<1x128xi32, #tpu.memory_space<vmem>>
      %dma_wait3A_41 = tpu.memref_squeeze %dma_wait3A_40 : memref<1x128xi32, #tpu.memory_space<vmem>> -> memref<128xi32, #tpu.memory_space<vmem>>
      %dma_wait3A_42 = arith.constant 0 : i32
      %dma_wait3A_43 = arith.constant 0 : i32
      %dma_wait3A_44 = tpu.memref_slice %arg2[%dma_wait3A_42, %dma_wait3A_43] : memref<10000x128xf32, #tpu.memory_space<hbm>> -> memref<10000x128xf32, #tpu.memory_space<hbm>>
      tpu.wait_indirect_dma semaphore(%arg8 : memref<!tpu.dma_semaphore, #tpu.memory_space<semaphore_mem>>) src(%dma_wait3A_44 : memref<10000x128xf32, #tpu.memory_space<hbm>>) dst(%arg6 : memref<128x128xf32, #tpu.memory_space<vmem>>)
      %run_scoped3A = arith.constant 1 : i32
      "tpu.region"() ({
        %run_scoped3A_46 = tpu.sem_alloc : memref<!tpu.dma_semaphore, #tpu.memory_space<semaphore_mem>>
        %dma_start3A_47 = arith.constant 0 : i32
        %dma_start3A_48 = tpu.memref_slice %arg5[%run_scoped3A, %dma_start3A_47] : memref<2x128xi32, #tpu.memory_space<vmem>> -> memref<1x128xi32, #tpu.memory_space<vmem>>
        %dma_start3A_49 = tpu.memref_squeeze %dma_start3A_48 : memref<1x128xi32, #tpu.memory_space<vmem>> -> memref<128xi32, #tpu.memory_space<vmem>>
        %dma_start3A_50 = arith.constant 0 : i32
        %dma_start3A_51 = arith.constant 0 : i32
        %dma_start3A_52 = tpu.memref_slice %arg7[%dma_start3A_50, %dma_start3A_51] : memref<10240x128xf32, #tpu.memory_space<vmem_shared>> -> memref<10240x128xf32, #tpu.memory_space<vmem_shared>>
        tpu.enqueue_indirect_dma source(%arg6 : memref<128x128xf32, #tpu.memory_space<vmem>>) target(%dma_start3A_52 : memref<10240x128xf32, #tpu.memory_space<vmem_shared>>) offsets(%dma_start3A_49 : memref<128xi32, #tpu.memory_space<vmem>>) semaphore(%run_scoped3A_46 : memref<!tpu.dma_semaphore, #tpu.memory_space<semaphore_mem>>) {add = true}
        %dma_wait3A_53 = arith.constant 0 : i32
        %dma_wait3A_54 = tpu.memref_slice %arg5[%run_scoped3A, %dma_wait3A_53] : memref<2x128xi32, #tpu.memory_space<vmem>> -> memref<1x128xi32, #tpu.memory_space<vmem>>
        %dma_wait3A_55 = tpu.memref_squeeze %dma_wait3A_54 : memref<1x128xi32, #tpu.memory_space<vmem>> -> memref<128xi32, #tpu.memory_space<vmem>>
        %dma_wait3A_56 = arith.constant 0 : i32
        %dma_wait3A_57 = arith.constant 0 : i32
        %dma_wait3A_58 = tpu.memref_slice %arg7[%dma_wait3A_56, %dma_wait3A_57] : memref<10240x128xf32, #tpu.memory_space<vmem_shared>> -> memref<10240x128xf32, #tpu.memory_space<vmem_shared>>
        tpu.wait_indirect_dma semaphore(%run_scoped3A_46 : memref<!tpu.dma_semaphore, #tpu.memory_space<semaphore_mem>>) src(%arg6 : memref<128x128xf32, #tpu.memory_space<vmem>>) dst(%dma_wait3A_58 : memref<10240x128xf32, #tpu.memory_space<vmem_shared>>)
        tpu.yield
      }) : () -> ()
      %scan3A_45 = arith.constant 0 : i32
      scf.yield %scan3A_45 : i32
    }
    %scan3A_26 = arith.constant 80 : i32
    %barrier3A_27 = arith.constant 0 : index
    tpu.barrier barrier_id(%barrier3A_27)
    "tpu.region"() ({
      %run_scoped3A = tpu.sem_alloc : memref<!tpu.dma_semaphore, #tpu.memory_space<semaphore_mem>>
      %dma_start3A = arith.constant 0 : i32
      %dma_start3A_28 = tpu.memref_slice %arg4[%arg0, %mul3A_2, %dma_start3A] : memref<2x10240x128xf32, #tpu.memory_space<hbm>> -> memref<1x640x128xf32, #tpu.memory_space<hbm>>
      %dma_start3A_29 = tpu.memref_squeeze %dma_start3A_28 : memref<1x640x128xf32, #tpu.memory_space<hbm>> -> memref<640x128xf32, #tpu.memory_space<hbm>>
      %dma_start3A_30 = arith.constant 0 : i32
      %dma_start3A_31 = tpu.memref_slice %arg7[%mul3A_2, %dma_start3A_30] : memref<10240x128xf32, #tpu.memory_space<vmem_shared>> -> memref<640x128xf32, #tpu.memory_space<vmem_shared>>
      tpu.enqueue_dma source(%dma_start3A_31 : memref<640x128xf32, #tpu.memory_space<vmem_shared>>) target(%dma_start3A_29 : memref<640x128xf32, #tpu.memory_space<hbm>>) target_semaphore(%run_scoped3A : memref<!tpu.dma_semaphore, #tpu.memory_space<semaphore_mem>>)
      %dma_wait3A = arith.constant 0 : i32
      %dma_wait3A_32 = tpu.memref_slice %arg4[%arg0, %mul3A_2, %dma_wait3A] : memref<2x10240x128xf32, #tpu.memory_space<hbm>> -> memref<1x640x128xf32, #tpu.memory_space<hbm>>
      %dma_wait3A_33 = tpu.memref_squeeze %dma_wait3A_32 : memref<1x640x128xf32, #tpu.memory_space<hbm>> -> memref<640x128xf32, #tpu.memory_space<hbm>>
      %dma_wait3A_34 = arith.constant 0 : i32
      %dma_wait3A_35 = tpu.memref_slice %arg7[%mul3A_2, %dma_wait3A_34] : memref<10240x128xf32, #tpu.memory_space<vmem_shared>> -> memref<640x128xf32, #tpu.memory_space<vmem_shared>>
      tpu.wait_dma2 semaphore(%run_scoped3A : memref<!tpu.dma_semaphore, #tpu.memory_space<semaphore_mem>>) src(%dma_wait3A_35 : memref<640x128xf32, #tpu.memory_space<vmem_shared>>) dst(%dma_wait3A_33 : memref<640x128xf32, #tpu.memory_space<hbm>>)
      tpu.yield
    }) : () -> ()
    return
  }
}

#map = affine_map<(d0, d1) -> (0, 0)>
#map1 = affine_map<(d0, d1) -> (0, 0, 0)>
module attributes {stable_mosaic.version = 14 : i64} {
  func.func @body(%arg0: i32, %arg1: i32, %arg2: memref<10000x128xf32, #tpu.memory_space<hbm>>, %arg3: memref<2560x2x128xi32, #tpu.memory_space<hbm>>, %arg4: memref<2x10240x128xf32, #tpu.memory_space<hbm>>, %arg5: memref<2x128xi32, #tpu.memory_space<vmem>>, %arg6: memref<128x128xf32, #tpu.memory_space<vmem>>, %arg7: memref<10240x128xf32, #tpu.memory_space<vmem_shared>>, %arg8: memref<!tpu.dma_semaphore, #tpu.memory_space<semaphore_mem>>) attributes {dimension_semantics = [#tpu.dimension_semantics<core_parallel>, #tpu.dimension_semantics<subcore_parallel>], iteration_bounds = array<i64: 2, 16>, scalar_prefetch = 0 : i64, scratch_operands = 4 : i64, tpu.core_type = #tpu.core_type<sc_vector_subcore>, window_params = [{transform_indices = #map}, {transform_indices = #map1}, {transform_indices = #map1}]} {
    %mul3A = arith.constant 16 : i32
    %mul3A_0 = arith.muli %arg0, %mul3A : i32
    %add3A = arith.addi %mul3A_0, %arg1 : i32
    %mul3A_1 = arith.constant 640 : i32
    %mul3A_2 = arith.muli %arg1, %mul3A_1 : i32
    %broadcast_in_dim3A = arith.constant 0.000000e+00 : f32
    %broadcast_in_dim3A_3 = vector.broadcast %broadcast_in_dim3A : f32 to vector<16xf32>
    %scan3A = arith.constant 0 : i32
    %scan3A_4 = arith.constant 0 : i32
    %scan3A_5 = arith.constant 128 : i32
    %scan3A_6 = arith.addi %scan3A_4, %scan3A_5 : i32
    %scan3A_7 = arith.constant 1 : i32
    %scan3A_8 = scf.for %scan3A_28 = %scan3A_4 to %scan3A_6 step %scan3A_7 iter_args(%scan3A_29 = %scan3A) -> (i32)  : i32 {
      %swap3A = arith.index_cast %scan3A_28 : i32 to index
      %swap3A_30 = arith.constant 0 : index
      %swap3A_31 = tpu.vector_load %arg6[%swap3A, %swap3A_30] {strides = array<i32>} : memref<128x128xf32, #tpu.memory_space<vmem>>, vector<1x16xf32>,
      %swap3A_32 = vector.shape_cast %swap3A_31 : vector<1x16xf32> to vector<16xf32>
      %swap3A_33 = vector.shape_cast %broadcast_in_dim3A_3 : vector<16xf32> to vector<1x16xf32>
      tpu.vector_store %arg6[%swap3A, %swap3A_30], %swap3A_33 {strides = array<i32>} : memref<128x128xf32, #tpu.memory_space<vmem>>, vector<1x16xf32>,
      %swap3A_34 = arith.index_cast %scan3A_28 : i32 to index
      %swap3A_35 = arith.constant 16 : index
      %swap3A_36 = tpu.vector_load %arg6[%swap3A_34, %swap3A_35] {strides = array<i32>} : memref<128x128xf32, #tpu.memory_space<vmem>>, vector<1x16xf32>,
      %swap3A_37 = vector.shape_cast %swap3A_36 : vector<1x16xf32> to vector<16xf32>
      %swap3A_38 = vector.shape_cast %broadcast_in_dim3A_3 : vector<16xf32> to vector<1x16xf32>
      tpu.vector_store %arg6[%swap3A_34, %swap3A_35], %swap3A_38 {strides = array<i32>} : memref<128x128xf32, #tpu.memory_space<vmem>>, vector<1x16xf32>,
      %swap3A_39 = arith.index_cast %scan3A_28 : i32 to index
      %swap3A_40 = arith.constant 32 : index
      %swap3A_41 = tpu.vector_load %arg6[%swap3A_39, %swap3A_40] {strides = array<i32>} : memref<128x128xf32, #tpu.memory_space<vmem>>, vector<1x16xf32>,
      %swap3A_42 = vector.shape_cast %swap3A_41 : vector<1x16xf32> to vector<16xf32>
      %swap3A_43 = vector.shape_cast %broadcast_in_dim3A_3 : vector<16xf32> to vector<1x16xf32>
      tpu.vector_store %arg6[%swap3A_39, %swap3A_40], %swap3A_43 {strides = array<i32>} : memref<128x128xf32, #tpu.memory_space<vmem>>, vector<1x16xf32>,
      %swap3A_44 = arith.index_cast %scan3A_28 : i32 to index
      %swap3A_45 = arith.constant 48 : index
      %swap3A_46 = tpu.vector_load %arg6[%swap3A_44, %swap3A_45] {strides = array<i32>} : memref<128x128xf32, #tpu.memory_space<vmem>>, vector<1x16xf32>,
      %swap3A_47 = vector.shape_cast %swap3A_46 : vector<1x16xf32> to vector<16xf32>
      %swap3A_48 = vector.shape_cast %broadcast_in_dim3A_3 : vector<16xf32> to vector<1x16xf32>
      tpu.vector_store %arg6[%swap3A_44, %swap3A_45], %swap3A_48 {strides = array<i32>} : memref<128x128xf32, #tpu.memory_space<vmem>>, vector<1x16xf32>,
      %swap3A_49 = arith.index_cast %scan3A_28 : i32 to index
      %swap3A_50 = arith.constant 64 : index
      %swap3A_51 = tpu.vector_load %arg6[%swap3A_49, %swap3A_50] {strides = array<i32>} : memref<128x128xf32, #tpu.memory_space<vmem>>, vector<1x16xf32>,
      %swap3A_52 = vector.shape_cast %swap3A_51 : vector<1x16xf32> to vector<16xf32>
      %swap3A_53 = vector.shape_cast %broadcast_in_dim3A_3 : vector<16xf32> to vector<1x16xf32>
      tpu.vector_store %arg6[%swap3A_49, %swap3A_50], %swap3A_53 {strides = array<i32>} : memref<128x128xf32, #tpu.memory_space<vmem>>, vector<1x16xf32>,
      %swap3A_54 = arith.index_cast %scan3A_28 : i32 to index
      %swap3A_55 = arith.constant 80 : index
      %swap3A_56 = tpu.vector_load %arg6[%swap3A_54, %swap3A_55] {strides = array<i32>} : memref<128x128xf32, #tpu.memory_space<vmem>>, vector<1x16xf32>,
      %swap3A_57 = vector.shape_cast %swap3A_56 : vector<1x16xf32> to vector<16xf32>
      %swap3A_58 = vector.shape_cast %broadcast_in_dim3A_3 : vector<16xf32> to vector<1x16xf32>
      tpu.vector_store %arg6[%swap3A_54, %swap3A_55], %swap3A_58 {strides = array<i32>} : memref<128x128xf32, #tpu.memory_space<vmem>>, vector<1x16xf32>,
      %swap3A_59 = arith.index_cast %scan3A_28 : i32 to index
      %swap3A_60 = arith.constant 96 : index
      %swap3A_61 = tpu.vector_load %arg6[%swap3A_59, %swap3A_60] {strides = array<i32>} : memref<128x128xf32, #tpu.memory_space<vmem>>, vector<1x16xf32>,
      %swap3A_62 = vector.shape_cast %swap3A_61 : vector<1x16xf32> to vector<16xf32>
      %swap3A_63 = vector.shape_cast %broadcast_in_dim3A_3 : vector<16xf32> to vector<1x16xf32>
      tpu.vector_store %arg6[%swap3A_59, %swap3A_60], %swap3A_63 {strides = array<i32>} : memref<128x128xf32, #tpu.memory_space<vmem>>, vector<1x16xf32>,
      %swap3A_64 = arith.index_cast %scan3A_28 : i32 to index
      %swap3A_65 = arith.constant 112 : index
      %swap3A_66 = tpu.vector_load %arg6[%swap3A_64, %swap3A_65] {strides = array<i32>} : memref<128x128xf32, #tpu.memory_space<vmem>>, vector<1x16xf32>,
      %swap3A_67 = vector.shape_cast %swap3A_66 : vector<1x16xf32> to vector<16xf32>
      %swap3A_68 = vector.shape_cast %broadcast_in_dim3A_3 : vector<16xf32> to vector<1x16xf32>
      tpu.vector_store %arg6[%swap3A_64, %swap3A_65], %swap3A_68 {strides = array<i32>} : memref<128x128xf32, #tpu.memory_space<vmem>>, vector<1x16xf32>,
      %scan3A_69 = arith.constant 0 : i32
      scf.yield %scan3A_69 : i32
    }
    %scan3A_9 = arith.constant 128 : i32
    %add3A_10 = arith.constant 0 : i32
    %add3A_11 = arith.addi %mul3A_2, %add3A_10 : i32
    "tpu.region"() ({
      %run_scoped3A = tpu.sem_alloc : memref<!tpu.dma_semaphore, #tpu.memory_space<semaphore_mem>>
      %dma_start3A = arith.constant 0 : i32
      %dma_start3A_28 = tpu.memref_slice %arg7[%add3A_11, %dma_start3A] : memref<10240x128xf32, #tpu.memory_space<vmem_shared>> -> memref<128x128xf32, #tpu.memory_space<vmem_shared>>
      %dma_start3A_29 = arith.constant 0 : i32
      %dma_start3A_30 = tpu.memref_slice %arg7[%add3A_11, %dma_start3A_29] : memref<10240x128xf32, #tpu.memory_space<vmem_shared>> -> memref<128x128xf32, #tpu.memory_space<vmem_shared>>
      tpu.enqueue_dma source(%arg6 : memref<128x128xf32, #tpu.memory_space<vmem>>) target(%dma_start3A_30 : memref<128x128xf32, #tpu.memory_space<vmem_shared>>) target_semaphore(%run_scoped3A : memref<!tpu.dma_semaphore, #tpu.memory_space<semaphore_mem>>)
      %dma_wait3A = arith.constant 0 : i32
      %dma_wait3A_31 = tpu.memref_slice %arg7[%add3A_11, %dma_wait3A] : memref<10240x128xf32, #tpu.memory_space<vmem_shared>> -> memref<128x128xf32, #tpu.memory_space<vmem_shared>>
      %dma_wait3A_32 = arith.constant 0 : i32
      %dma_wait3A_33 = tpu.memref_slice %arg7[%add3A_11, %dma_wait3A_32] : memref<10240x128xf32, #tpu.memory_space<vmem_shared>> -> memref<128x128xf32, #tpu.memory_space<vmem_shared>>
      tpu.wait_dma2 semaphore(%run_scoped3A : memref<!tpu.dma_semaphore, #tpu.memory_space<semaphore_mem>>) src(%arg6 : memref<128x128xf32, #tpu.memory_space<vmem>>) dst(%dma_wait3A_33 : memref<128x128xf32, #tpu.memory_space<vmem_shared>>)
      tpu.yield
    }) : () -> ()
    %add3A_12 = arith.constant 128 : i32
    %add3A_13 = arith.addi %mul3A_2, %add3A_12 : i32
    "tpu.region"() ({
      %run_scoped3A = tpu.sem_alloc : memref<!tpu.dma_semaphore, #tpu.memory_space<semaphore_mem>>
      %dma_start3A = arith.constant 0 : i32
      %dma_start3A_28 = tpu.memref_slice %arg7[%add3A_13, %dma_start3A] : memref<10240x128xf32, #tpu.memory_space<vmem_shared>> -> memref<128x128xf32, #tpu.memory_space<vmem_shared>>
      %dma_start3A_29 = arith.constant 0 : i32
      %dma_start3A_30 = tpu.memref_slice %arg7[%add3A_13, %dma_start3A_29] : memref<10240x128xf32, #tpu.memory_space<vmem_shared>> -> memref<128x128xf32, #tpu.memory_space<vmem_shared>>
      tpu.enqueue_dma source(%arg6 : memref<128x128xf32, #tpu.memory_space<vmem>>) target(%dma_start3A_30 : memref<128x128xf32, #tpu.memory_space<vmem_shared>>) target_semaphore(%run_scoped3A : memref<!tpu.dma_semaphore, #tpu.memory_space<semaphore_mem>>)
      %dma_wait3A = arith.constant 0 : i32
      %dma_wait3A_31 = tpu.memref_slice %arg7[%add3A_13, %dma_wait3A] : memref<10240x128xf32, #tpu.memory_space<vmem_shared>> -> memref<128x128xf32, #tpu.memory_space<vmem_shared>>
      %dma_wait3A_32 = arith.constant 0 : i32
      %dma_wait3A_33 = tpu.memref_slice %arg7[%add3A_13, %dma_wait3A_32] : memref<10240x128xf32, #tpu.memory_space<vmem_shared>> -> memref<128x128xf32, #tpu.memory_space<vmem_shared>>
      tpu.wait_dma2 semaphore(%run_scoped3A : memref<!tpu.dma_semaphore, #tpu.memory_space<semaphore_mem>>) src(%arg6 : memref<128x128xf32, #tpu.memory_space<vmem>>) dst(%dma_wait3A_33 : memref<128x128xf32, #tpu.memory_space<vmem_shared>>)
      tpu.yield
    }) : () -> ()
    %add3A_14 = arith.constant 256 : i32
    %add3A_15 = arith.addi %mul3A_2, %add3A_14 : i32
    "tpu.region"() ({
      %run_scoped3A = tpu.sem_alloc : memref<!tpu.dma_semaphore, #tpu.memory_space<semaphore_mem>>
      %dma_start3A = arith.constant 0 : i32
      %dma_start3A_28 = tpu.memref_slice %arg7[%add3A_15, %dma_start3A] : memref<10240x128xf32, #tpu.memory_space<vmem_shared>> -> memref<128x128xf32, #tpu.memory_space<vmem_shared>>
      %dma_start3A_29 = arith.constant 0 : i32
      %dma_start3A_30 = tpu.memref_slice %arg7[%add3A_15, %dma_start3A_29] : memref<10240x128xf32, #tpu.memory_space<vmem_shared>> -> memref<128x128xf32, #tpu.memory_space<vmem_shared>>
      tpu.enqueue_dma source(%arg6 : memref<128x128xf32, #tpu.memory_space<vmem>>) target(%dma_start3A_30 : memref<128x128xf32, #tpu.memory_space<vmem_shared>>) target_semaphore(%run_scoped3A : memref<!tpu.dma_semaphore, #tpu.memory_space<semaphore_mem>>)
      %dma_wait3A = arith.constant 0 : i32
      %dma_wait3A_31 = tpu.memref_slice %arg7[%add3A_15, %dma_wait3A] : memref<10240x128xf32, #tpu.memory_space<vmem_shared>> -> memref<128x128xf32, #tpu.memory_space<vmem_shared>>
      %dma_wait3A_32 = arith.constant 0 : i32
      %dma_wait3A_33 = tpu.memref_slice %arg7[%add3A_15, %dma_wait3A_32] : memref<10240x128xf32, #tpu.memory_space<vmem_shared>> -> memref<128x128xf32, #tpu.memory_space<vmem_shared>>
      tpu.wait_dma2 semaphore(%run_scoped3A : memref<!tpu.dma_semaphore, #tpu.memory_space<semaphore_mem>>) src(%arg6 : memref<128x128xf32, #tpu.memory_space<vmem>>) dst(%dma_wait3A_33 : memref<128x128xf32, #tpu.memory_space<vmem_shared>>)
      tpu.yield
    }) : () -> ()
    %add3A_16 = arith.constant 384 : i32
    %add3A_17 = arith.addi %mul3A_2, %add3A_16 : i32
    "tpu.region"() ({
      %run_scoped3A = tpu.sem_alloc : memref<!tpu.dma_semaphore, #tpu.memory_space<semaphore_mem>>
      %dma_start3A = arith.constant 0 : i32
      %dma_start3A_28 = tpu.memref_slice %arg7[%add3A_17, %dma_start3A] : memref<10240x128xf32, #tpu.memory_space<vmem_shared>> -> memref<128x128xf32, #tpu.memory_space<vmem_shared>>
      %dma_start3A_29 = arith.constant 0 : i32
      %dma_start3A_30 = tpu.memref_slice %arg7[%add3A_17, %dma_start3A_29] : memref<10240x128xf32, #tpu.memory_space<vmem_shared>> -> memref<128x128xf32, #tpu.memory_space<vmem_shared>>
      tpu.enqueue_dma source(%arg6 : memref<128x128xf32, #tpu.memory_space<vmem>>) target(%dma_start3A_30 : memref<128x128xf32, #tpu.memory_space<vmem_shared>>) target_semaphore(%run_scoped3A : memref<!tpu.dma_semaphore, #tpu.memory_space<semaphore_mem>>)
      %dma_wait3A = arith.constant 0 : i32
      %dma_wait3A_31 = tpu.memref_slice %arg7[%add3A_17, %dma_wait3A] : memref<10240x128xf32, #tpu.memory_space<vmem_shared>> -> memref<128x128xf32, #tpu.memory_space<vmem_shared>>
      %dma_wait3A_32 = arith.constant 0 : i32
      %dma_wait3A_33 = tpu.memref_slice %arg7[%add3A_17, %dma_wait3A_32] : memref<10240x128xf32, #tpu.memory_space<vmem_shared>> -> memref<128x128xf32, #tpu.memory_space<vmem_shared>>
      tpu.wait_dma2 semaphore(%run_scoped3A : memref<!tpu.dma_semaphore, #tpu.memory_space<semaphore_mem>>) src(%arg6 : memref<128x128xf32, #tpu.memory_space<vmem>>) dst(%dma_wait3A_33 : memref<128x128xf32, #tpu.memory_space<vmem_shared>>)
      tpu.yield
    }) : () -> ()
    %add3A_18 = arith.constant 512 : i32
    %add3A_19 = arith.addi %mul3A_2, %add3A_18 : i32
    "tpu.region"() ({
      %run_scoped3A = tpu.sem_alloc : memref<!tpu.dma_semaphore, #tpu.memory_space<semaphore_mem>>
      %dma_start3A = arith.constant 0 : i32
      %dma_start3A_28 = tpu.memref_slice %arg7[%add3A_19, %dma_start3A] : memref<10240x128xf32, #tpu.memory_space<vmem_shared>> -> memref<128x128xf32, #tpu.memory_space<vmem_shared>>
      %dma_start3A_29 = arith.constant 0 : i32
      %dma_start3A_30 = tpu.memref_slice %arg7[%add3A_19, %dma_start3A_29] : memref<10240x128xf32, #tpu.memory_space<vmem_shared>> -> memref<128x128xf32, #tpu.memory_space<vmem_shared>>
      tpu.enqueue_dma source(%arg6 : memref<128x128xf32, #tpu.memory_space<vmem>>) target(%dma_start3A_30 : memref<128x128xf32, #tpu.memory_space<vmem_shared>>) target_semaphore(%run_scoped3A : memref<!tpu.dma_semaphore, #tpu.memory_space<semaphore_mem>>)
      %dma_wait3A = arith.constant 0 : i32
      %dma_wait3A_31 = tpu.memref_slice %arg7[%add3A_19, %dma_wait3A] : memref<10240x128xf32, #tpu.memory_space<vmem_shared>> -> memref<128x128xf32, #tpu.memory_space<vmem_shared>>
      %dma_wait3A_32 = arith.constant 0 : i32
      %dma_wait3A_33 = tpu.memref_slice %arg7[%add3A_19, %dma_wait3A_32] : memref<10240x128xf32, #tpu.memory_space<vmem_shared>> -> memref<128x128xf32, #tpu.memory_space<vmem_shared>>
      tpu.wait_dma2 semaphore(%run_scoped3A : memref<!tpu.dma_semaphore, #tpu.memory_space<semaphore_mem>>) src(%arg6 : memref<128x128xf32, #tpu.memory_space<vmem>>) dst(%dma_wait3A_33 : memref<128x128xf32, #tpu.memory_space<vmem_shared>>)
      tpu.yield
    }) : () -> ()
    %barrier3A = arith.constant 0 : index
    tpu.barrier barrier_id(%barrier3A)
    %scan3A_20 = arith.constant 0 : i32
    %scan3A_21 = arith.constant 0 : i32
    %scan3A_22 = arith.constant 80 : i32
    %scan3A_23 = arith.addi %scan3A_21, %scan3A_22 : i32
    %scan3A_24 = arith.constant 1 : i32
    %scan3A_25 = scf.for %scan3A_28 = %scan3A_21 to %scan3A_23 step %scan3A_24 iter_args(%scan3A_29 = %scan3A_20) -> (i32)  : i32 {
      %mul3A_30 = arith.constant 80 : i32
      %mul3A_31 = arith.muli %add3A, %mul3A_30 : i32
      %add3A_32 = arith.addi %mul3A_31, %scan3A_28 : i32
      "tpu.region"() ({
        %run_scoped3A_46 = tpu.sem_alloc : memref<!tpu.dma_semaphore, #tpu.memory_space<semaphore_mem>>
        %dma_start3A_47 = arith.constant 0 : i32
        %dma_start3A_48 = arith.constant 0 : i32
        %dma_start3A_49 = tpu.memref_slice %arg3[%add3A_32, %dma_start3A_47, %dma_start3A_48] : memref<2560x2x128xi32, #tpu.memory_space<hbm>> -> memref<1x2x128xi32, #tpu.memory_space<hbm>>
        %dma_start3A_50 = tpu.memref_squeeze %dma_start3A_49 : memref<1x2x128xi32, #tpu.memory_space<hbm>> -> memref<2x128xi32, #tpu.memory_space<hbm>>
        %dma_start3A_51 = arith.constant 0 : i32
        %dma_start3A_52 = arith.constant 0 : i32
        %dma_start3A_53 = tpu.memref_slice %arg3[%add3A_32, %dma_start3A_51, %dma_start3A_52] : memref<2560x2x128xi32, #tpu.memory_space<hbm>> -> memref<1x2x128xi32, #tpu.memory_space<hbm>>
        %dma_start3A_54 = tpu.memref_squeeze %dma_start3A_53 : memref<1x2x128xi32, #tpu.memory_space<hbm>> -> memref<2x128xi32, #tpu.memory_space<hbm>>
        tpu.enqueue_dma source(%dma_start3A_54 : memref<2x128xi32, #tpu.memory_space<hbm>>) target(%arg5 : memref<2x128xi32, #tpu.memory_space<vmem>>) target_semaphore(%run_scoped3A_46 : memref<!tpu.dma_semaphore, #tpu.memory_space<semaphore_mem>>)
        %dma_wait3A_55 = arith.constant 0 : i32
        %dma_wait3A_56 = arith.constant 0 : i32
        %dma_wait3A_57 = tpu.memref_slice %arg3[%add3A_32, %dma_wait3A_55, %dma_wait3A_56] : memref<2560x2x128xi32, #tpu.memory_space<hbm>> -> memref<1x2x128xi32, #tpu.memory_space<hbm>>
        %dma_wait3A_58 = tpu.memref_squeeze %dma_wait3A_57 : memref<1x2x128xi32, #tpu.memory_space<hbm>> -> memref<2x128xi32, #tpu.memory_space<hbm>>
        %dma_wait3A_59 = arith.constant 0 : i32
        %dma_wait3A_60 = arith.constant 0 : i32
        %dma_wait3A_61 = tpu.memref_slice %arg3[%add3A_32, %dma_wait3A_59, %dma_wait3A_60] : memref<2560x2x128xi32, #tpu.memory_space<hbm>> -> memref<1x2x128xi32, #tpu.memory_space<hbm>>
        %dma_wait3A_62 = tpu.memref_squeeze %dma_wait3A_61 : memref<1x2x128xi32, #tpu.memory_space<hbm>> -> memref<2x128xi32, #tpu.memory_space<hbm>>
        tpu.wait_dma2 semaphore(%run_scoped3A_46 : memref<!tpu.dma_semaphore, #tpu.memory_space<semaphore_mem>>) src(%dma_wait3A_62 : memref<2x128xi32, #tpu.memory_space<hbm>>) dst(%arg5 : memref<2x128xi32, #tpu.memory_space<vmem>>)
        tpu.yield
      }) : () -> ()
      %dma_start3A = arith.constant 0 : i32
      %dma_start3A_33 = arith.constant 0 : i32
      %dma_start3A_34 = tpu.memref_slice %arg5[%dma_start3A, %dma_start3A_33] : memref<2x128xi32, #tpu.memory_space<vmem>> -> memref<1x128xi32, #tpu.memory_space<vmem>>
      %dma_start3A_35 = tpu.memref_squeeze %dma_start3A_34 : memref<1x128xi32, #tpu.memory_space<vmem>> -> memref<128xi32, #tpu.memory_space<vmem>>
      %dma_start3A_36 = arith.constant 0 : i32
      %dma_start3A_37 = arith.constant 0 : i32
      %dma_start3A_38 = tpu.memref_slice %arg2[%dma_start3A_36, %dma_start3A_37] : memref<10000x128xf32, #tpu.memory_space<hbm>> -> memref<10000x128xf32, #tpu.memory_space<hbm>>
      tpu.enqueue_indirect_dma source(%dma_start3A_38 : memref<10000x128xf32, #tpu.memory_space<hbm>>) target(%arg6 : memref<128x128xf32, #tpu.memory_space<vmem>>) offsets(%dma_start3A_35 : memref<128xi32, #tpu.memory_space<vmem>>) semaphore(%arg8 : memref<!tpu.dma_semaphore, #tpu.memory_space<semaphore_mem>>)
      %dma_wait3A = arith.constant 0 : i32
      %dma_wait3A_39 = arith.constant 0 : i32
      %dma_wait3A_40 = tpu.memref_slice %arg5[%dma_wait3A, %dma_wait3A_39] : memref<2x128xi32, #tpu.memory_space<vmem>> -> memref<1x128xi32, #tpu.memory_space<vmem>>
      %dma_wait3A_41 = tpu.memref_squeeze %dma_wait3A_40 : memref<1x128xi32, #tpu.memory_space<vmem>> -> memref<128xi32, #tpu.memory_space<vmem>>
      %dma_wait3A_42 = arith.constant 0 : i32
      %dma_wait3A_43 = arith.constant 0 : i32
      %dma_wait3A_44 = tpu.memref_slice %arg2[%dma_wait3A_42, %dma_wait3A_43] : memref<10000x128xf32, #tpu.memory_space<hbm>> -> memref<10000x128xf32, #tpu.memory_space<hbm>>
      tpu.wait_indirect_dma semaphore(%arg8 : memref<!tpu.dma_semaphore, #tpu.memory_space<semaphore_mem>>) src(%dma_wait3A_44 : memref<10000x128xf32, #tpu.memory_space<hbm>>) dst(%arg6 : memref<128x128xf32, #tpu.memory_space<vmem>>)
      %run_scoped3A = arith.constant 1 : i32
      "tpu.region"() ({
        %run_scoped3A_46 = tpu.sem_alloc : memref<!tpu.dma_semaphore, #tpu.memory_space<semaphore_mem>>
        %dma_start3A_47 = arith.constant 0 : i32
        %dma_start3A_48 = tpu.memref_slice %arg5[%run_scoped3A, %dma_start3A_47] : memref<2x128xi32, #tpu.memory_space<vmem>> -> memref<1x128xi32, #tpu.memory_space<vmem>>
        %dma_start3A_49 = tpu.memref_squeeze %dma_start3A_48 : memref<1x128xi32, #tpu.memory_space<vmem>> -> memref<128xi32, #tpu.memory_space<vmem>>
        %dma_start3A_50 = arith.constant 0 : i32
        %dma_start3A_51 = arith.constant 0 : i32
        %dma_start3A_52 = tpu.memref_slice %arg7[%dma_start3A_50, %dma_start3A_51] : memref<10240x128xf32, #tpu.memory_space<vmem_shared>> -> memref<10240x128xf32, #tpu.memory_space<vmem_shared>>
        tpu.enqueue_indirect_dma source(%arg6 : memref<128x128xf32, #tpu.memory_space<vmem>>) target(%dma_start3A_52 : memref<10240x128xf32, #tpu.memory_space<vmem_shared>>) offsets(%dma_start3A_49 : memref<128xi32, #tpu.memory_space<vmem>>) semaphore(%run_scoped3A_46 : memref<!tpu.dma_semaphore, #tpu.memory_space<semaphore_mem>>) {add = true}
        %dma_wait3A_53 = arith.constant 0 : i32
        %dma_wait3A_54 = tpu.memref_slice %arg5[%run_scoped3A, %dma_wait3A_53] : memref<2x128xi32, #tpu.memory_space<vmem>> -> memref<1x128xi32, #tpu.memory_space<vmem>>
        %dma_wait3A_55 = tpu.memref_squeeze %dma_wait3A_54 : memref<1x128xi32, #tpu.memory_space<vmem>> -> memref<128xi32, #tpu.memory_space<vmem>>
        %dma_wait3A_56 = arith.constant 0 : i32
        %dma_wait3A_57 = arith.constant 0 : i32
        %dma_wait3A_58 = tpu.memref_slice %arg7[%dma_wait3A_56, %dma_wait3A_57] : memref<10240x128xf32, #tpu.memory_space<vmem_shared>> -> memref<10240x128xf32, #tpu.memory_space<vmem_shared>>
        tpu.wait_indirect_dma semaphore(%run_scoped3A_46 : memref<!tpu.dma_semaphore, #tpu.memory_space<semaphore_mem>>) src(%arg6 : memref<128x128xf32, #tpu.memory_space<vmem>>) dst(%dma_wait3A_58 : memref<10240x128xf32, #tpu.memory_space<vmem_shared>>)
        tpu.yield
      }) : () -> ()
      %scan3A_45 = arith.constant 0 : i32
      scf.yield %scan3A_45 : i32
    }
    %scan3A_26 = arith.constant 80 : i32
    %barrier3A_27 = arith.constant 0 : index
    tpu.barrier barrier_id(%barrier3A_27)
    "tpu.region"() ({
      %run_scoped3A = tpu.sem_alloc : memref<!tpu.dma_semaphore, #tpu.memory_space<semaphore_mem>>
      %dma_start3A = arith.constant 0 : i32
      %dma_start3A_28 = tpu.memref_slice %arg4[%arg0, %mul3A_2, %dma_start3A] : memref<2x10240x128xf32, #tpu.memory_space<hbm>> -> memref<1x640x128xf32, #tpu.memory_space<hbm>>
      %dma_start3A_29 = tpu.memref_squeeze %dma_start3A_28 : memref<1x640x128xf32, #tpu.memory_space<hbm>> -> memref<640x128xf32, #tpu.memory_space<hbm>>
      %dma_start3A_30 = arith.constant 0 : i32
      %dma_start3A_31 = tpu.memref_slice %arg7[%mul3A_2, %dma_start3A_30] : memref<10240x128xf32, #tpu.memory_space<vmem_shared>> -> memref<640x128xf32, #tpu.memory_space<vmem_shared>>
      tpu.enqueue_dma source(%dma_start3A_31 : memref<640x128xf32, #tpu.memory_space<vmem_shared>>) target(%dma_start3A_29 : memref<640x128xf32, #tpu.memory_space<hbm>>) target_semaphore(%run_scoped3A : memref<!tpu.dma_semaphore, #tpu.memory_space<semaphore_mem>>)
      %dma_wait3A = arith.constant 0 : i32
      %dma_wait3A_32 = tpu.memref_slice %arg4[%arg0, %mul3A_2, %dma_wait3A] : memref<2x10240x128xf32, #tpu.memory_space<hbm>> -> memref<1x640x128xf32, #tpu.memory_space<hbm>>
      %dma_wait3A_33 = tpu.memref_squeeze %dma_wait3A_32 : memref<1x640x128xf32, #tpu.memory_space<hbm>> -> memref<640x128xf32, #tpu.memory_space<hbm>>
      %dma_wait3A_34 = arith.constant 0 : i32
      %dma_wait3A_35 = tpu.memref_slice %arg7[%mul3A_2, %dma_wait3A_34] : memref<10240x128xf32, #tpu.memory_space<vmem_shared>> -> memref<640x128xf32, #tpu.memory_space<vmem_shared>>
      tpu.wait_dma2 semaphore(%run_scoped3A : memref<!tpu.dma_semaphore, #tpu.memory_space<semaphore_mem>>) src(%dma_wait3A_35 : memref<640x128xf32, #tpu.memory_space<vmem_shared>>) dst(%dma_wait3A_33 : memref<640x128xf32, #tpu.memory_space<hbm>>)
      tpu.yield
    }) : () -> ()
    return
  }
}

module attributes {stable_mosaic.version = 14 : i64} {
  func.func @_dense_body(%arg0: i32, %arg1: memref<1000x128xf32, #tpu.memory_space<vmem>>, %arg2: memref<2x1000x128xf32, #tpu.memory_space<vmem>>, %arg3: memref<2x1000x16xf32, #tpu.memory_space<vmem>>, %arg4: memref<128x128xf32, #tpu.memory_space<vmem>>, %arg5: memref<128x128xf32, #tpu.memory_space<vmem>>, %arg6: memref<1x128xf32, #tpu.memory_space<vmem>>, %arg7: memref<1000x128xf32, #tpu.memory_space<vmem>>) attributes {dimension_semantics = [#tpu.dimension_semantics<arbitrary>], iteration_bounds = array<i64: 10>, scalar_prefetch = 0 : i64, scratch_operands = 0 : i64, tpu.core_type = #tpu.core_type<tc>, window_params = [{transform_indices = @transform_0, window_bounds = array<i64: 1000, 128>}, {transform_indices = @transform_1, window_bounds = array<i64: 2, 1000, 128>}, {transform_indices = @transform_2, window_bounds = array<i64: 2, 1000, 16>}, {pipeline_mode = #tpu.pipeline_mode<synchronous>, transform_indices = @transform_3, window_bounds = array<i64: 128, 128>}, {pipeline_mode = #tpu.pipeline_mode<synchronous>, transform_indices = @transform_4, window_bounds = array<i64: 128, 128>}, {pipeline_mode = #tpu.pipeline_mode<synchronous>, transform_indices = @transform_5, window_bounds = array<i64: 1, 128>}, {transform_indices = @transform_6, window_bounds = array<i64: 1000, 128>}]} {
    %get3A = arith.constant 0 : index
    %get3A_0 = arith.constant 0 : index
    %get3A_1 = arith.constant 0 : index
    %get3A_2 = vector.load %arg2[%get3A, %get3A_0, %get3A_1] : memref<2x1000x128xf32, #tpu.memory_space<vmem>>, vector<1x1000x128xf32>
    %get3A_3 = vector.shape_cast %get3A_2 : vector<1x1000x128xf32> to vector<1000x128xf32>
    %get3A_4 = arith.constant 1 : index
    %get3A_5 = arith.constant 0 : index
    %get3A_6 = arith.constant 0 : index
    %get3A_7 = vector.load %arg2[%get3A_4, %get3A_5, %get3A_6] : memref<2x1000x128xf32, #tpu.memory_space<vmem>>, vector<1x1000x128xf32>
    %get3A_8 = vector.shape_cast %get3A_7 : vector<1x1000x128xf32> to vector<1000x128xf32>
    %add3A = arith.addf %get3A_3, %get3A_8 : vector<1000x128xf32>
    %get3A_9 = arith.constant 0 : index
    %get3A_10 = arith.constant 0 : index
    %get3A_11 = arith.constant 0 : index
    %get3A_12 = vector.load %arg3[%get3A_9, %get3A_10, %get3A_11] : memref<2x1000x16xf32, #tpu.memory_space<vmem>>, vector<1x1000x16xf32>
    %get3A_13 = vector.shape_cast %get3A_12 : vector<1x1000x16xf32> to vector<1000x16xf32>
    %get3A_14 = arith.constant 1 : index
    %get3A_15 = arith.constant 0 : index
    %get3A_16 = arith.constant 0 : index
    %get3A_17 = vector.load %arg3[%get3A_14, %get3A_15, %get3A_16] : memref<2x1000x16xf32, #tpu.memory_space<vmem>>, vector<1x1000x16xf32>
    %get3A_18 = vector.shape_cast %get3A_17 : vector<1x1000x16xf32> to vector<1000x16xf32>
    %add3A_19 = arith.addf %get3A_13, %get3A_18 : vector<1000x16xf32>
    %reduce_sum3A = arith.constant dense<0.000000e+00> : vector<1000xf32>
    %reduce_sum3A_20 = vector.multi_reduction <add>, %add3A_19, %reduce_sum3A [1] : vector<1000x16xf32> to vector<1000xf32>
    %broadcast_in_dim3A = vector.shape_cast %reduce_sum3A_20 : vector<1000xf32> to vector<1000x1xf32>
    %div3A = arith.constant 1.600000e+01 : f32
    %div3A_21 = vector.broadcast %div3A : f32 to vector<1000x1xf32>
    %div3A_22 = arith.divf %broadcast_in_dim3A, %div3A_21 : vector<1000x1xf32>
    %max3A = arith.constant 1.000000e+00 : f32
    %max3A_23 = vector.broadcast %max3A : f32 to vector<1000x1xf32>
    %max3A_24 = arith.maximumf %div3A_22, %max3A_23 : vector<1000x1xf32>
    %div3A_25 = vector.broadcast %max3A_24 : vector<1000x1xf32> to vector<1000x128xf32>
    %div3A_26 = arith.divf %add3A, %div3A_25 : vector<1000x128xf32>
    %get3A_27 = arith.constant 0 : index
    %get3A_28 = arith.constant 0 : index
    %get3A_29 = vector.load %arg1[%get3A_27, %get3A_28] : memref<1000x128xf32, #tpu.memory_space<vmem>>, vector<1000x128xf32>
    %get3A_30 = arith.constant 0 : index
    %get3A_31 = arith.constant 0 : index
    %get3A_32 = vector.load %arg4[%get3A_30, %get3A_31] : memref<128x128xf32, #tpu.memory_space<vmem>>, vector<128x128xf32>
    %dot_general3A = arith.constant dense<0.000000e+00> : vector<1000x128xf32>
    %dot_general3A_33 = tpu.matmul %get3A_29, %get3A_32, %dot_general3A {dimension_numbers = #tpu.dot_dimension_numbers<[1], [0], [0], [1], [0, 0, 1, 1], [], []>, transpose_lhs_hint = false} : vector<1000x128xf32>, vector<128x128xf32>, vector<1000x128xf32> -> vector<1000x128xf32>
    %get3A_34 = arith.constant 0 : index
    %get3A_35 = arith.constant 0 : index
    %get3A_36 = vector.load %arg5[%get3A_34, %get3A_35] : memref<128x128xf32, #tpu.memory_space<vmem>>, vector<128x128xf32>
    %dot_general3A_37 = arith.constant dense<0.000000e+00> : vector<1000x128xf32>
    %dot_general3A_38 = tpu.matmul %div3A_26, %get3A_36, %dot_general3A_37 {dimension_numbers = #tpu.dot_dimension_numbers<[1], [0], [0], [1], [0, 0, 1, 1], [], []>, transpose_lhs_hint = false} : vector<1000x128xf32>, vector<128x128xf32>, vector<1000x128xf32> -> vector<1000x128xf32>
    %add3A_39 = arith.addf %dot_general3A_33, %dot_general3A_38 : vector<1000x128xf32>
    %get3A_40 = arith.constant 0 : index
    %get3A_41 = arith.constant 0 : index
    %get3A_42 = vector.load %arg6[%get3A_40, %get3A_41] : memref<1x128xf32, #tpu.memory_space<vmem>>, vector<1x128xf32>
    %add3A_43 = vector.broadcast %get3A_42 : vector<1x128xf32> to vector<1000x128xf32>
    %add3A_44 = arith.addf %add3A_39, %add3A_43 : vector<1000x128xf32>
    %max3A_45 = arith.constant 0.000000e+00 : f32
    %max3A_46 = vector.broadcast %max3A_45 : f32 to vector<1000x128xf32>
    %max3A_47 = arith.maximumf %add3A_44, %max3A_46 : vector<1000x128xf32>
    %swap3A = arith.constant 0 : index
    %swap3A_48 = arith.constant 0 : index
    %swap3A_49 = vector.load %arg7[%swap3A, %swap3A_48] : memref<1000x128xf32, #tpu.memory_space<vmem>>, vector<1000x128xf32>
    tpu.vector_store %arg7[%swap3A, %swap3A_48], %max3A_47 {strides = array<i32>} : memref<1000x128xf32, #tpu.memory_space<vmem>>, vector<1000x128xf32>,
    return
  }
  func.func @transform_0(%arg0: i32) -> (i32, i32) {
    %c0_i32 = arith.constant 0 : i32
    %c0_i32_0 = arith.constant 0 : i32
    return %arg0, %c0_i32 : i32, i32
  }
  func.func @transform_1(%arg0: i32) -> (i32, i32, i32) {
    %c0_i32 = arith.constant 0 : i32
    %c0_i32_0 = arith.constant 0 : i32
    %c0_i32_1 = arith.constant 0 : i32
    return %c0_i32, %arg0, %c0_i32_0 : i32, i32, i32
  }
  func.func @transform_2(%arg0: i32) -> (i32, i32, i32) {
    %c0_i32 = arith.constant 0 : i32
    %c0_i32_0 = arith.constant 0 : i32
    %c0_i32_1 = arith.constant 0 : i32
    return %c0_i32, %arg0, %c0_i32_0 : i32, i32, i32
  }
  func.func @transform_3(%arg0: i32) -> (i32, i32) {
    %c0_i32 = arith.constant 0 : i32
    %c0_i32_0 = arith.constant 0 : i32
    %c0_i32_1 = arith.constant 0 : i32
    return %c0_i32, %c0_i32_0 : i32, i32
  }
  func.func @transform_4(%arg0: i32) -> (i32, i32) {
    %c0_i32 = arith.constant 0 : i32
    %c0_i32_0 = arith.constant 0 : i32
    %c0_i32_1 = arith.constant 0 : i32
    return %c0_i32, %c0_i32_0 : i32, i32
  }
  func.func @transform_5(%arg0: i32) -> (i32, i32) {
    %c0_i32 = arith.constant 0 : i32
    %c0_i32_0 = arith.constant 0 : i32
    %c0_i32_1 = arith.constant 0 : i32
    return %c0_i32, %c0_i32_0 : i32, i32
  }
  func.func @transform_6(%arg0: i32) -> (i32, i32) {
    %c0_i32 = arith.constant 0 : i32
    %c0_i32_0 = arith.constant 0 : i32
    return %arg0, %c0_i32 : i32, i32
  }
}

module attributes {stable_mosaic.version = 14 : i64} {
  func.func @_dense_body(%arg0: i32, %arg1: memref<1000x128xf32, #tpu.memory_space<vmem>>, %arg2: memref<2x1000x128xf32, #tpu.memory_space<vmem>>, %arg3: memref<2x1000x16xf32, #tpu.memory_space<vmem>>, %arg4: memref<128x128xf32, #tpu.memory_space<vmem>>, %arg5: memref<128x128xf32, #tpu.memory_space<vmem>>, %arg6: memref<1x128xf32, #tpu.memory_space<vmem>>, %arg7: memref<1000x128xf32, #tpu.memory_space<vmem>>) attributes {dimension_semantics = [#tpu.dimension_semantics<arbitrary>], iteration_bounds = array<i64: 10>, scalar_prefetch = 0 : i64, scratch_operands = 0 : i64, tpu.core_type = #tpu.core_type<tc>, window_params = [{transform_indices = @transform_0, window_bounds = array<i64: 1000, 128>}, {transform_indices = @transform_1, window_bounds = array<i64: 2, 1000, 128>}, {transform_indices = @transform_2, window_bounds = array<i64: 2, 1000, 16>}, {pipeline_mode = #tpu.pipeline_mode<synchronous>, transform_indices = @transform_3, window_bounds = array<i64: 128, 128>}, {pipeline_mode = #tpu.pipeline_mode<synchronous>, transform_indices = @transform_4, window_bounds = array<i64: 128, 128>}, {pipeline_mode = #tpu.pipeline_mode<synchronous>, transform_indices = @transform_5, window_bounds = array<i64: 1, 128>}, {transform_indices = @transform_6, window_bounds = array<i64: 1000, 128>}]} {
    %get3A = arith.constant 0 : index
    %get3A_0 = arith.constant 0 : index
    %get3A_1 = arith.constant 0 : index
    %get3A_2 = vector.load %arg2[%get3A, %get3A_0, %get3A_1] : memref<2x1000x128xf32, #tpu.memory_space<vmem>>, vector<1x1000x128xf32>
    %get3A_3 = vector.shape_cast %get3A_2 : vector<1x1000x128xf32> to vector<1000x128xf32>
    %get3A_4 = arith.constant 1 : index
    %get3A_5 = arith.constant 0 : index
    %get3A_6 = arith.constant 0 : index
    %get3A_7 = vector.load %arg2[%get3A_4, %get3A_5, %get3A_6] : memref<2x1000x128xf32, #tpu.memory_space<vmem>>, vector<1x1000x128xf32>
    %get3A_8 = vector.shape_cast %get3A_7 : vector<1x1000x128xf32> to vector<1000x128xf32>
    %add3A = arith.addf %get3A_3, %get3A_8 : vector<1000x128xf32>
    %get3A_9 = arith.constant 0 : index
    %get3A_10 = arith.constant 0 : index
    %get3A_11 = arith.constant 0 : index
    %get3A_12 = vector.load %arg3[%get3A_9, %get3A_10, %get3A_11] : memref<2x1000x16xf32, #tpu.memory_space<vmem>>, vector<1x1000x16xf32>
    %get3A_13 = vector.shape_cast %get3A_12 : vector<1x1000x16xf32> to vector<1000x16xf32>
    %get3A_14 = arith.constant 1 : index
    %get3A_15 = arith.constant 0 : index
    %get3A_16 = arith.constant 0 : index
    %get3A_17 = vector.load %arg3[%get3A_14, %get3A_15, %get3A_16] : memref<2x1000x16xf32, #tpu.memory_space<vmem>>, vector<1x1000x16xf32>
    %get3A_18 = vector.shape_cast %get3A_17 : vector<1x1000x16xf32> to vector<1000x16xf32>
    %add3A_19 = arith.addf %get3A_13, %get3A_18 : vector<1000x16xf32>
    %reduce_sum3A = arith.constant dense<0.000000e+00> : vector<1000xf32>
    %reduce_sum3A_20 = vector.multi_reduction <add>, %add3A_19, %reduce_sum3A [1] : vector<1000x16xf32> to vector<1000xf32>
    %broadcast_in_dim3A = vector.shape_cast %reduce_sum3A_20 : vector<1000xf32> to vector<1000x1xf32>
    %div3A = arith.constant 1.600000e+01 : f32
    %div3A_21 = vector.broadcast %div3A : f32 to vector<1000x1xf32>
    %div3A_22 = arith.divf %broadcast_in_dim3A, %div3A_21 : vector<1000x1xf32>
    %max3A = arith.constant 1.000000e+00 : f32
    %max3A_23 = vector.broadcast %max3A : f32 to vector<1000x1xf32>
    %max3A_24 = arith.maximumf %div3A_22, %max3A_23 : vector<1000x1xf32>
    %div3A_25 = vector.broadcast %max3A_24 : vector<1000x1xf32> to vector<1000x128xf32>
    %div3A_26 = arith.divf %add3A, %div3A_25 : vector<1000x128xf32>
    %get3A_27 = arith.constant 0 : index
    %get3A_28 = arith.constant 0 : index
    %get3A_29 = vector.load %arg1[%get3A_27, %get3A_28] : memref<1000x128xf32, #tpu.memory_space<vmem>>, vector<1000x128xf32>
    %get3A_30 = arith.constant 0 : index
    %get3A_31 = arith.constant 0 : index
    %get3A_32 = vector.load %arg4[%get3A_30, %get3A_31] : memref<128x128xf32, #tpu.memory_space<vmem>>, vector<128x128xf32>
    %dot_general3A = arith.constant dense<0.000000e+00> : vector<1000x128xf32>
    %dot_general3A_33 = tpu.matmul %get3A_29, %get3A_32, %dot_general3A {dimension_numbers = #tpu.dot_dimension_numbers<[1], [0], [0], [1], [0, 0, 1, 1], [], []>, transpose_lhs_hint = false} : vector<1000x128xf32>, vector<128x128xf32>, vector<1000x128xf32> -> vector<1000x128xf32>
    %get3A_34 = arith.constant 0 : index
    %get3A_35 = arith.constant 0 : index
    %get3A_36 = vector.load %arg5[%get3A_34, %get3A_35] : memref<128x128xf32, #tpu.memory_space<vmem>>, vector<128x128xf32>
    %dot_general3A_37 = arith.constant dense<0.000000e+00> : vector<1000x128xf32>
    %dot_general3A_38 = tpu.matmul %div3A_26, %get3A_36, %dot_general3A_37 {dimension_numbers = #tpu.dot_dimension_numbers<[1], [0], [0], [1], [0, 0, 1, 1], [], []>, transpose_lhs_hint = false} : vector<1000x128xf32>, vector<128x128xf32>, vector<1000x128xf32> -> vector<1000x128xf32>
    %add3A_39 = arith.addf %dot_general3A_33, %dot_general3A_38 : vector<1000x128xf32>
    %get3A_40 = arith.constant 0 : index
    %get3A_41 = arith.constant 0 : index
    %get3A_42 = vector.load %arg6[%get3A_40, %get3A_41] : memref<1x128xf32, #tpu.memory_space<vmem>>, vector<1x128xf32>
    %add3A_43 = vector.broadcast %get3A_42 : vector<1x128xf32> to vector<1000x128xf32>
    %add3A_44 = arith.addf %add3A_39, %add3A_43 : vector<1000x128xf32>
    %swap3A = arith.constant 0 : index
    %swap3A_45 = arith.constant 0 : index
    %swap3A_46 = vector.load %arg7[%swap3A, %swap3A_45] : memref<1000x128xf32, #tpu.memory_space<vmem>>, vector<1000x128xf32>
    tpu.vector_store %arg7[%swap3A, %swap3A_45], %add3A_44 {strides = array<i32>} : memref<1000x128xf32, #tpu.memory_space<vmem>>, vector<1000x128xf32>,
    return
  }
  func.func @transform_0(%arg0: i32) -> (i32, i32) {
    %c0_i32 = arith.constant 0 : i32
    %c0_i32_0 = arith.constant 0 : i32
    return %arg0, %c0_i32 : i32, i32
  }
  func.func @transform_1(%arg0: i32) -> (i32, i32, i32) {
    %c0_i32 = arith.constant 0 : i32
    %c0_i32_0 = arith.constant 0 : i32
    %c0_i32_1 = arith.constant 0 : i32
    return %c0_i32, %arg0, %c0_i32_0 : i32, i32, i32
  }
  func.func @transform_2(%arg0: i32) -> (i32, i32, i32) {
    %c0_i32 = arith.constant 0 : i32
    %c0_i32_0 = arith.constant 0 : i32
    %c0_i32_1 = arith.constant 0 : i32
    return %c0_i32, %arg0, %c0_i32_0 : i32, i32, i32
  }
  func.func @transform_3(%arg0: i32) -> (i32, i32) {
    %c0_i32 = arith.constant 0 : i32
    %c0_i32_0 = arith.constant 0 : i32
    %c0_i32_1 = arith.constant 0 : i32
    return %c0_i32, %c0_i32_0 : i32, i32
  }
  func.func @transform_4(%arg0: i32) -> (i32, i32) {
    %c0_i32 = arith.constant 0 : i32
    %c0_i32_0 = arith.constant 0 : i32
    %c0_i32_1 = arith.constant 0 : i32
    return %c0_i32, %c0_i32_0 : i32, i32
  }
  func.func @transform_5(%arg0: i32) -> (i32, i32) {
    %c0_i32 = arith.constant 0 : i32
    %c0_i32_0 = arith.constant 0 : i32
    %c0_i32_1 = arith.constant 0 : i32
    return %c0_i32, %c0_i32_0 : i32, i32
  }
  func.func @transform_6(%arg0: i32) -> (i32, i32) {
    %c0_i32 = arith.constant 0 : i32
    %c0_i32_0 = arith.constant 0 : i32
    return %arg0, %c0_i32 : i32, i32
  }
}

</mosaic_0001>

<sc_bundles>
// kernel: kernel.11.cloned.1.call-start
scs
__scs_entry_jumppad:
0x0: {  	(pc) =	sbr.rel $0x88, $3  }
0x1: {  	(tag) =	ssettag $0x0;
	lr =	simm.s32 $0x1  }
0x2: {  	[smem:$0x3F96] =	sst lr;
	_ =	strace $0xD0000000  }
0x3: {  	_ = 	snop  }
0x4: {  	_ = 	snop  }
0x5: {  	_ = 	snop  }
0x6: {  	_ = 	snop  }
0x7: {  	_ = 	snop  }
__scs_overlays_trampoline_lowered:
0x8: {  	[smem:$0x3FA5] =	sst s0  }
0x9: {  	[smem:$0x3FA6] =	sst s1  }
0xa: {  	[smem:$0x3FA7] =	sst s2  }
0xb: {  	[smem:$0x3FA8] =	sst s3  }
0xc: {  	[smem:$0x3FA9] =	sst s4  }
0xd: {  	[smem:$0x3FAA] =	sst s5  }
0xe: {  	[smem:$0x3FAB] =	sst s6  }
0xf: {  	[smem:$0x3FAC] =	sst s7  }
0x10: {  	[smem:$0x3FAD] =	sst s8  }
0x11: {  	[smem:$0x3FAE] =	sst s9;
	s0 =	simm.s32 @!p0 $0x0  }
0x12: {  	s1 =	sld [smem:$0x3F94];
	s0 =	simm.s32 @p0 $0x1  }
0x13: {  	[smem:$0x3FAF] =	sst s0;
	s0 =	simm.s32 @!p1 $0x0  }
0x14: {  	s2 =	sld [smem:$0x3F93];
	s0 =	simm.s32 @p1 $0x1  }
0x15: {  	[smem:$0x3FB0] =	sst s0;
	s0 =	simm.s32 @!p2 $0x0  }
0x16: {  	s3 =	sld [smem:$0x3FDB];
	s0 =	simm.s32 @p2 $0x1  }
0x17: {  	s4 =	simm.s32 $0x1BF5;
	[smem:$0x3FB2] =	sst s0  }
0x18: {  	s0 =	sld [smem:$0x3F95];
	_ =	swait.ge [sflag:s4], $0x0  }
0x19: {  	s7 =	sld [smem:$0x3F96]  }
0x1a: {  	s8 =	sadd.s32 $0xFFFFE003, lr  }
0x1b: {  	s9 =	sadd.s32 $0xFFFFFEF7, lr;
	s5 =	simm.s32 $0xFFFFFFFF;
	p2 =	slt.u32 s8, $0xFFFFF086  }
0x1c: {  	p1 =	slt.u32 s9, $0xF7A;
	s5 =	simm.s32 @!p2 $0x0  }
0x1d: {  	s5 =	simm.s32 @p1 $0x1;
	p0 =	seq.s32 s7, s2  }
0x1e: {  	s7 =	smul.u32 @!p0 $0xF7A, s2;
	p2 =	seq.s32 @!p0 s5, $0x0  }
0x1f: {  	s9 =	smul.u32 $0xF7A, s1;
	s8 =	simm.s32 @!p0 $0x1BF5;
	p2 =	por !p2, p0  }
0x20: {  	[sflag:s8] =	ssyncset.s32 @!p0 $0xFFFFF086;
	s6 =	sadd.s32 @!p0 s3, s7;
	s7 =	simm.s32 @!p0 $0x108  }
0x21: {  	s3 =	sadd.s32 s3, s9;
	s6 =	sadd.s32 @!p0 $0x88, s6;
	s7 =	simm.s32 @p2 $0x1082  }
0x22: {  	[simem:s7], [sflag:s8] =	dma.local @!p0 [hbm:s6], $0xF7A  }
0x23: {  	s9 =	sor.u32 $0xD0000000, s2;
	s6 =	simm.s32 $0x108;
	_ =	swait.ge @!p0 [sflag:s8], $0x0  }
0x24: {  	s3 =	sadd.s32 $0x88, s3;
	s6 =	simm.s32 @!p1 $0x1082;
	[sflag:s4] =	ssyncset.s32 $0xFFFFF086  }
0x25: {  	[simem:s6], [sflag:s4] =	dma.local [hbm:s3], $0xF7A  }
0x26: {  	[smem:$0x3F96] =	sst s1;
	(tag) =	ssettag s2;
	_ =	strace s9  }
0x27: {  	s1 =	sld [smem:$0x3FA6]  }
0x28: {  	s2 =	sld [smem:$0x3FA7]  }
0x29: {  	s4 =	sld [smem:$0x3FA9]  }
0x2a: {  	p0 =	seq.s32 s5, $0x0;
	s5 =	sld [smem:$0x3FAA]  }
0x2b: {  	s6 =	sld [smem:$0x3FAB]  }
0x2c: {  	s7 =	sld [smem:$0x3FAC]  }
0x2d: {  	s3 =	simm.s32 $0x108;
	s8 =	sld [smem:$0x3FAD]  }
0x2e: {  	s3 =	simm.s32 @!p0 $0x1082;
	s9 =	sld [smem:$0x3FAE]  }
0x2f: {  	lr =	sadd.s32 s0, s3;
	s0 =	sld [smem:$0x3FA5]  }
0x30: {  	s3 =	sld [smem:$0x3FA8]  }
0x31: {  	[smem:$0x3FB1] =	sst s10  }
0x32: {  	s10 =	sld [smem:$0x3FAF];
	_ =	sdelay $0x3  }
0x33: {  	p0 =	seq.s32 s10, $0x1;
	s10 =	sld [smem:$0x3FB1];
	_ =	sdelay $0x3  }
0x34: {  	[smem:$0x3FB1] =	sst s10  }
0x35: {  	s10 =	sld [smem:$0x3FB0];
	_ =	sdelay $0x3  }
0x36: {  	p1 =	seq.s32 s10, $0x1;
	s10 =	sld [smem:$0x3FB1];
	_ =	sdelay $0x3  }
0x37: {  	[smem:$0x3FB1] =	sst s10  }
0x38: {  	s10 =	sld [smem:$0x3FB2]  }
0x39: {  	_ = 	snop;
	(pc) =	sbr.ind lr, $3  }
0x3a: {  	_ = 	snop  }
0x3b: {  	_ = 	snop  }
0x3c: {  	p2 =	seq.s32 s10, $0x1;
	s10 =	sld [smem:$0x3FB1]  }
0x3d: {  	_ =	shalt  }
0x3e: {  	_ =	shalt  }
0x3f: {  	_ =	shalt  }
0x40: {  	_ =	shalt  }
0x41: {  	_ =	shalt  }
0x42: {  	_ =	shalt  }
0x43: {  	_ =	shalt  }
0x44: {  	_ =	shalt  }
0x45: {  	_ =	shalt  }
0x46: {  	_ =	shalt  }
0x47: {  	_ =	shalt  }
0x48: {  	_ =	shalt  }
0x49: {  	_ =	shalt  }
0x4a: {  	_ =	shalt  }
0x4b: {  	_ =	shalt  }
0x4c: {  	_ =	shalt  }
0x4d: {  	_ =	shalt  }
0x4e: {  	_ =	shalt  }
0x4f: {  	_ =	shalt  }
0x50: {  	_ =	shalt  }
0x51: {  	_ =	shalt  }
0x52: {  	_ =	shalt  }
0x53: {  	_ =	shalt  }
0x54: {  	_ =	shalt  }
0x55: {  	_ =	shalt  }
0x56: {  	_ =	shalt  }
0x57: {  	_ =	shalt  }
0x58: {  	_ =	shalt  }
0x59: {  	_ =	shalt  }
0x5a: {  	_ =	shalt  }
0x5b: {  	_ =	shalt  }
0x5c: {  	_ =	shalt  }
0x5d: {  	_ =	shalt  }
0x5e: {  	_ =	shalt  }
0x5f: {  	_ =	shalt  }
0x60: {  	_ =	shalt  }
0x61: {  	_ =	shalt  }
0x62: {  	_ =	shalt  }
0x63: {  	_ =	shalt  }
0x64: {  	_ =	shalt  }
0x65: {  	_ =	shalt  }
0x66: {  	_ =	shalt  }
0x67: {  	_ =	shalt  }
0x68: {  	_ =	shalt  }
0x69: {  	_ =	shalt  }
0x6a: {  	_ =	shalt  }
0x6b: {  	_ =	shalt  }
0x6c: {  	_ =	shalt  }
0x6d: {  	_ =	shalt  }
0x6e: {  	_ =	shalt  }
0x6f: {  	_ =	shalt  }
0x70: {  	_ =	shalt  }
0x71: {  	_ =	shalt  }
0x72: {  	_ =	shalt  }
0x73: {  	_ =	shalt  }
0x74: {  	_ =	shalt  }
0x75: {  	_ =	shalt  }
0x76: {  	_ =	shalt  }
0x77: {  	_ =	shalt  }
0x78: {  	_ =	shalt  }
0x79: {  	_ =	shalt  }
0x7a: {  	_ =	shalt  }
0x7b: {  	_ =	shalt  }
0x7c: {  	_ =	shalt  }
0x7d: {  	_ =	shalt  }
0x7e: {  	_ =	shalt  }
0x7f: {  	_ =	shalt  }
0x80: {  	_ =	shalt  }
0x81: {  	_ =	shalt  }
0x82: {  	_ =	shalt  }
0x83: {  	_ =	shalt  }
0x84: {  	_ =	shalt  }
0x85: {  	_ =	shalt  }
0x86: {  	_ =	shalt  }
0x87: {  	_ =	shalt  }
.Lfunc_end0:
.L_simem_size_0:
called_computation.1_lowered:
.L_overlay_start_0:
0x88: {  	s2 =	sld [smem:$0x3FD9]  }
0x89: {  	s3 =	sld [smem:$0x3FFE];
	_ =	sdelay $0x1  }
0x8a: {  	s1 =	srdreg.scid  }
0x8b: {  	s0 =	sand.u32 $0x1, s1  }
0x8c: {  	s17 =	sshll.u32 s0, $0xA;
	s2 =	sadd.s32 s3, s2  }
0x8d: {  	s2 =	sadd.s32 s2, s17  }
0x8e: {  	[smem:$0x3FBD] =	sst s2  }
0x8f: {  	_ = 	snop  }
0x90: {  	s2 =	sld [smem:$0x3FD0];
	(tm) =	ssettm $0x1  }
0x91: {  	s18 =	sld [smem:$0x3FFB];
	_ =	sdelay $0x3  }
0x92: {  	_ =	strace s18  }
0x93: {  	s3 =	sld [smem:$0x3FFC];
	_ =	sdelay $0x3  }
0x94: {  	_ =	strace s3  }
0x95: {  	s3 =	sld [smem:$0x3FFD];
	_ =	sdelay $0x3  }
0x96: {  	_ =	strace s3  }
0x97: {  	_ =	strace $0x8FFFFFFF  }
0x98: {  	s19 =	sld [smem:$0x3FDB];
	_ =	sdelay $0x1  }
0x99: {  	s4 =	simm.s32 $_scs_section_size  }
0x9a: {  	s5 =	simm.s32 $_size__tile_overlayer_lowered;
	s6 =	simm.s32 $_tile_overlayer_lowered  }
0x9b: {  	s22 =	simm.s32 $0x1BFF;
	s21 =	sshll.u32 s6, $0x1;
	s3 =	sadd.s32 s4, s19  }
0x9c: {  	s7 =	simm.s32 $0x0;
	s20 =	sshll.u32 s5, $0x1;
	s5 =	sadd.s32 s21, s3  }
0x9d: {  	[timem:s7], [sflag:s22] =	dma.local [hbm:s5], s20  }
0x9e: {  	_ =	swait.ge [sflag:s22], s20  }
0x9f: {  	s4 =	ssub.s32 $0x0, s20;
	[sflag:s22] =	ssyncset.done $0x0  }
0xa0: {  	[sflag:s22] =	ssyncadd.s32 s4;
	_ =	sdelay $0x1  }
0xa1: {  	s23 =	simm.s32 $0x1B8B  }
0xa2: {  	_ =	swait.ge [sflag:s23], $0x1  }
0xa3: {  	[sflag:s23] =	ssyncset.done $0x0  }
0xa4: {  	s25 =	simm.s32 $0x1B8E;
	s24 =	sld [smem:$0x3FFE];
	[sflag:s23] =	ssyncadd.s32 $0xFFFFFFFF  }
0xa5: {  	s26 =	simm.s32 $execute0_lowered;
	[smem:$0x3FD2] =	sst s25  }
0xa6: {  	s5 =	sshll.u32 s26, $0x1;
	_ =	strace $0x80000049;
	[dreg:$0x1] =	wrdreg $0xFFFFFFFF  }
0xa7: {  	s28 =	simm.s32 $_size_execute0_lowered;
	s3 =	sadd.s32 s3, s5;
	[dreg:$0x0] =	wrdreg $0x0  }
0xa8: {  	s5 =	sshll.u32 s28, $0x1;
	[dreg:$0x2] =	wrdreg s3  }
0xa9: {  	[dreg:$0x3] =	wrdreg s5  }
0xaa: {  	[dreg:$0x4] =	wrdreg $0xC0  }
0xab: {  	_ =	task [dreg:s7], $0x5FFFF  }
0xac: {  	[dreg:$0x1] =	wrdreg $0xFFFFFFFF  }
0xad: {  	[dreg:$0x0] =	wrdreg $0x60  }
0xae: {  	[dreg:$0x2] =	wrdreg s2  }
0xaf: {  	[dreg:$0x3] =	wrdreg s24  }
0xb0: {  	[dreg:$0x4] =	wrdreg $0x41000  }
0xb1: {  	[dreg:$0x5] =	wrdreg $0x9  }
0xb2: {  	_ =	task.clear_ibuf [dreg:s7], $0x6FFFF;
	_ =	strace $0x90000049  }
0xb3: {  	s29 =	simm.s32 $0x9;
	_ =	strace $0x8000004B  }
0xb4: {  	_ =	swait.ge [sflag:s29], $0x1  }
0xb5: {  	[sflag:s29] =	ssyncadd.s32 $0xFFFFFFFF  }
0xb6: {  	_ =	strace $0x9000004B  }
0xb7: {  	_ =	sfence  }
0xb8: {  	s30 =	sld [smem:$0x0];
	_ =	sdelay $0x2  }
0xb9: {  	s31 =	sshll.u32 s1, $0xD;
	s1 =	sshrl.u32 s1, $0x2  }
0xba: {  	s3 =	sand.u32 $0x4000, s31;
	s1 =	sadd.s32 s1, s30  }
0xbb: {  	s0 =	sor.u32 s3, s0;
	s1 =	sshll.u32 s1, $0x11  }
0xbc: {  	s0 =	sor.u32 s1, s0  }
0xbd: {  	s0 =	sadd.s32 $0x8F2B, s0  }
0xbe: {  	[sflag:s0] =	ssyncadd.remote.s32 $0x1  }
0xbf: {  	_ =	sfence.sel $0xFFFF  }
0xc0: {  	[dreg:$0x0] =	wrdreg $0xFFFFFFFF;
	(pc) =	sbr.abs _section_cstart, $3  }
0xc1: {  	[dreg:$0x1] =	wrdreg $0xFFFFFFFF  }
0xc2: {  	_ =	task.clear_ibuf [dreg:s7], $0x2FFFF;
	_ =	strace $0x9FFFFFFF  }
0xc3: {  	(tm) =	ssettm $0x7FFFFFFF  }
tec
execute0_lowered:
.L_overlay_start_1:
0x0: {  	(tag) =	ssettag $0x1  }
0x1: {  	s0 =	rddreg [dreg:$0x0]  }
0x2: {  	s5 =	rddreg [dreg:$0x1];
	s1 =	srdreg.scid  }
0x3: {  	s3 =	rddreg [dreg:$0x2];
	s2 =	stileid.u32  }
0x4: {  	s4 =	simm.s32 $0x0;
	s15 =	simm.s32 $0x80;
	s8 =	smul.u32 $0x14000, s2  }
0x5: {  	s16 =	simm.s32 $0x1;
	s19 =	simm.s32 $0x0;
	s10 =	smul.u32 $0x50000, s2  }
0x6: {  	s6 =	sand.u32 $0x1, s1;
	s1 =	rddreg [dreg:$0x3];
	s14 =	smul.u32 $0xA00, s2  }
0x7: {  	[smem:$0x7FF] =	sst s4;
	s17 =	sshll.u32 s2, $0x6;
	s7 =	smul.u32 $0xA000, s6  }
0x8: {  	s9 =	smul.u32 $0x140000, s6;
	_ =	strace $0x8000004A;
	s6 =	ssub.s32 $0x2, s6  }
0x9: {  	s17 =	sor.u32 $0x1C02, s17;
	s30 =	sshrl.u32 s6, $0x1;
	s10 =	sshrl.u32 s10, $0x2  }
0xa: {  	s12 =	sadd.s32 s7, s5;
	s29 =	sadd.s32 s8, s9;
	s31 =	sadd.s32 s10, s3  }
0xb: {  	s13 =	ssub.s32 s6, s30;
	s7 =	sshrl.u32 s29, $0x3;
	s6 =	sadd.s32 $0x4000, s31  }
0xc: {  	s9 =	sadd.s32 $0x10000, s31;
	s12 =	sadd.s32 s14, s12;
	s14 =	simm.s32 $0x2  }
0xd: {  	s11 =	sadd.s32 s7, s5;
	s5 =	sadd.s32 s8, s3;
	s7 =	sadd.s32 $0x8000, s31  }
0xe: {  	s8 =	sadd.s32 $0xC000, s31;
	s12 =	sadd.s32 $0x3C00, s12;
	s10 =	sadd.s32 $0x17C00, s11  }
0xf: {  	v0 =	vimm.f32 $0.0e+00;
	s11 =	smax.u32 s13, $0x1;
	s13 =	simm.s32 $0x100;
	s18 =	sshrl.u32 s5, $0x3  }
.LBB2_1:
0x10: {  	s20 =	simm.s32 $0x0;
	s21 =	simm.s32 $0x200  }
.LBB2_2:
0x11: {  	p0 =	sne.s32 s21, $0xFE00;
	[tilespmem:s20+$0x170] =	vst v0  }
0x12: {  	[tilespmem:s20+$0x100] =	vst v0  }
0x13: {  	[tilespmem:s20+$0x110] =	vst v0  }
.Ltmp0:
0x14: {  	[tilespmem:s20+$0x120] =	vst v0;
	(pc) =	sbr.rel @p0 .LBB2_2-.Ltmp0, $4  }
0x15: {  	[tilespmem:s20+$0x130] =	vst v0  }
0x16: {  	[tilespmem:s20+$0x140] =	vst v0  }
0x17: {  	[tilespmem:s20+$0x150] =	vst v0  }
0x18: {  	[tilespmem:s20+$0x160] =	vst v0;
	s20 =	sshra.s32 s21, $0x2;
	s21 =	sadd.s32 $0x200, s21  }
0x19: {  	[tilespmem:s20+$0x170] =	vst v0  }
0x1a: {  	[tilespmem:s20+$0x100] =	vst v0  }
0x1b: {  	[tilespmem:s20+$0x110] =	vst v0  }
0x1c: {  	[tilespmem:s20+$0x120] =	vst v0  }
0x1d: {  	[tilespmem:s20+$0x130] =	vst v0  }
0x1e: {  	[tilespmem:s20+$0x140] =	vst v0  }
0x1f: {  	[tilespmem:s20+$0x150] =	vst v0  }
0x20: {  	[tilespmem:s20+$0x160] =	vst v0  }
0x21: {  	[spmem:s5] =	stream.linear.scatter [tilespmem:s13], [sflag:$0x2], $0x4000, $0x38;
	[tilespmem:$0x18100] =	vst v63  }
0x22: {  	_ =	swait.ge [sflag:s14], $0x4000  }
0x23: {  	[sflag:s14] =	ssyncset.done $0x0  }
0x24: {  	[sflag:s14] =	ssyncadd.s32 $0xFFFFC000  }
0x25: {  	[spmem:s6] =	stream.linear.scatter [tilespmem:s13], [sflag:$0x2], $0x4000, $0x38;
	[tilespmem:$0x18100] =	vst v63  }
0x26: {  	_ =	swait.ge [sflag:s14], $0x4000  }
0x27: {  	[sflag:s14] =	ssyncset.done $0x0  }
0x28: {  	[sflag:s14] =	ssyncadd.s32 $0xFFFFC000  }
0x29: {  	[spmem:s7] =	stream.linear.scatter [tilespmem:s13], [sflag:$0x2], $0x4000, $0x38;
	[tilespmem:$0x18100] =	vst v63  }
0x2a: {  	_ =	swait.ge [sflag:s14], $0x4000  }
0x2b: {  	[sflag:s14] =	ssyncset.done $0x0  }
0x2c: {  	[sflag:s14] =	ssyncadd.s32 $0xFFFFC000  }
0x2d: {  	[spmem:s8] =	stream.linear.scatter [tilespmem:s13], [sflag:$0x2], $0x4000, $0x38;
	[tilespmem:$0x18100] =	vst v63  }
0x2e: {  	_ =	swait.ge [sflag:s14], $0x4000  }
0x2f: {  	[sflag:s14] =	ssyncset.done $0x0  }
0x30: {  	[sflag:s14] =	ssyncadd.s32 $0xFFFFC000  }
0x31: {  	[spmem:s9] =	stream.linear.scatter [tilespmem:s13], [sflag:$0x2], $0x4000, $0x38;
	[tilespmem:$0x18100] =	vst v63  }
0x32: {  	_ =	swait.ge [sflag:s14], $0x4000  }
0x33: {  	[sflag:s14] =	ssyncset.done $0x0  }
0x34: {  	[sflag:s14] =	ssyncadd.s32 $0xFFFFC000  }
0x35: {  	s31 =	sadd.s32 $0x0, s12;
	[bflag:$0x0] =	sbarrier.arrive $0xFFFF  }
0x36: {  	[tilespmem:s4], [sflag:$0x2] =	stream.linear.gather [hbm4b:s31+s4], $0x100, $0x38;
	[tilespmem:$0x18100] =	vst v63  }
0x37: {  	_ =	swait.ge [sflag:s14], $0x100  }
0x38: {  	[sflag:s14] =	ssyncset.done $0x0  }
0x39: {  	[sflag:s14] =	ssyncadd.s32 $0xFFFFFF00  }
0x3a: {  	[tilespmem:s13], [sflag:$0x1] =	stream.indirect.gather [hbm4b:s0+s15], $0x80, s4, s15, $0xb8;
	[tilespmem:$0x18100] =	vst v63  }
0x3b: {  	_ =	swait.ge [sflag:s16], $0x4000  }
0x3c: {  	[sflag:s16] =	ssyncset.done $0x0  }
0x3d: {  	[sflag:s16] =	ssyncadd.s32 $0xFFFFC000  }
0x3e: {  	[spmem:s3] =	stream.indirect.scatter.add.f32 [tilespmem:s13], [sflag:$0x2], $0x80, s15, s15, $0xb8;
	[tilespmem:$0x18100] =	vst v63  }
0x3f: {  	_ =	swait.ge [sflag:s14], $0x4000  }
0x40: {  	s20 =	simm.s32 $0x20;
	s21 =	simm.s32 $0x40;
	[sflag:s14] =	ssyncset.done $0x0  }
.LBB2_4:
0x41: {  	s22 =	sadd.s32 s20, s12  }
0x42: {  	[sflag:s14] =	ssyncadd.s32 $0xFFFFC000;
	s20 =	smov.u32 s21;
	s23 =	sadd.s32 $0x20, s21  }
0x43: {  	[tilespmem:s4], [sflag:$0x2] =	stream.linear.gather [hbm4b:s22+s4], $0x100, $0x38;
	[tilespmem:$0x18100] =	vst v63  }
0x44: {  	p0 =	sne.s32 s21, $0x9E0;
	_ =	swait.ge [sflag:s14], $0x100  }
0x45: {  	[sflag:s14] =	ssyncset.done $0x0  }
0x46: {  	[sflag:s14] =	ssyncadd.s32 $0xFFFFFF00  }
0x47: {  	[tilespmem:s13], [sflag:$0x1] =	stream.indirect.gather [hbm4b:s0+s15], $0x80, s4, s15, $0xb8;
	[tilespmem:$0x18100] =	vst v63  }
0x48: {  	_ =	swait.ge [sflag:s16], $0x4000  }
.Ltmp1:
0x49: {  	[sflag:s16] =	ssyncset.done $0x0;
	(pc) =	sbr.rel @p0 .LBB2_4-.Ltmp1, $4  }
0x4a: {  	[sflag:s16] =	ssyncadd.s32 $0xFFFFC000  }
0x4b: {  	[spmem:s3] =	stream.indirect.scatter.add.f32 [tilespmem:s13], [sflag:$0x2], $0x80, s15, s15, $0xb8;
	[tilespmem:$0x18100] =	vst v63  }
0x4c: {  	_ =	swait.ge [sflag:s14], $0x4000  }
0x4d: {  	s21 =	smov.u32 s23;
	[sflag:s14] =	ssyncset.done $0x0  }
0x4e: {  	s20 =	sadd.s32 s20, s12;
	[sflag:s14] =	ssyncadd.s32 $0xFFFFC000  }
0x4f: {  	[tilespmem:s4], [sflag:$0x2] =	stream.linear.gather [hbm4b:s20+s4], $0x100, $0x38;
	[tilespmem:$0x18100] =	vst v63  }
0x50: {  	_ =	swait.ge [sflag:s14], $0x100  }
0x51: {  	[sflag:s14] =	ssyncset.done $0x0  }
0x52: {  	[sflag:s14] =	ssyncadd.s32 $0xFFFFFF00  }
0x53: {  	[tilespmem:s13], [sflag:$0x1] =	stream.indirect.gather [hbm4b:s0+s15], $0x80, s4, s15, $0xb8;
	[tilespmem:$0x18100] =	vst v63  }
0x54: {  	_ =	swait.ge [sflag:s16], $0x4000  }
0x55: {  	[sflag:s16] =	ssyncset.done $0x0  }
0x56: {  	[sflag:s16] =	ssyncadd.s32 $0xFFFFC000  }
0x57: {  	[spmem:s3] =	stream.indirect.scatter.add.f32 [tilespmem:s13], [sflag:$0x2], $0x80, s15, s15, $0xb8;
	[tilespmem:$0x18100] =	vst v63  }
0x58: {  	_ =	swait.ge [sflag:s14], $0x4000  }
0x59: {  	s19 =	sadd.s32 $0x1, s19;
	[sflag:s14] =	ssyncset.done $0x0  }
0x5a: {  	p0 =	sne.s32 s19, s11;
	[sflag:s14] =	ssyncadd.s32 $0xFFFFC000  }
.Ltmp2:
0x5b: {  	[bflag:$0x0] =	sbarrier.arrive $0xFFFF;
	(pc) =	sbr.rel @p0 .LBB2_1-.Ltmp2, $4  }
0x5c: {  	[hbm:s10], [sflag:s17] =	dma.local [spmem:s18], $0x2800  }
0x5d: {  	_ =	swait.ge [sflag:s14], $0x2800  }
0x5e: {  	[sflag:s14] =	ssyncset.done $0x0  }
0x5f: {  	[sflag:s14] =	ssyncadd.s32 $0xFFFFD800  }
0x60: {  	_ =	sfence.sel $0x180000  }
0x61: {  	[bflag:$0x0] =	sbarrier.arrive $0xFFFF  }
0x62: {  	p0 =	sne.s32 s2, $0x0;
	_ =	strace $0x9000004A  }
0x63: {  	s0 =	sadd.s32 @!p0 $0x100000, s1;
	[bflag:$0x2] =	sbarrier.arrive $0xFFFF  }
0x64: {  	[sflag:s0] =	ssyncadd.tile.s32 @!p0 $0x1;
	_ =	shalt  }
.Lfunc_end2:
_tile_overlayer_lowered:
.L_overlay_start_2:
0x65: {  	(tag) =	ssettag $0x2  }
0x66: {  	s0 =	rddreg [dreg:$0x0];
	s2 =	stileid.u32  }
0x67: {  	s1 =	rddreg [dreg:$0x1];
	p0 =	sne.s32 s2, $0x0  }
0x68: {  	s3 =	rddreg [dreg:$0x2];
	[bflag:$0x3] =	sbarrier.arrive $0xFFFF;
	s2 =	simm.s32 @!p0 $0x1C02  }
0x69: {  	[timem:s3], [sflag:s2] =	dma.local @!p0 [hbm:s0], s1  }
0x6a: {  	s0 =	simm.s32 @!p0 $0x2  }
0x6b: {  	_ =	swait.ge @!p0 [sflag:s0], s1  }
0x6c: {  	s1 =	ssub.s32 @!p0 $0x0, s1;
	[sflag:s0] =	ssyncset.done @!p0 $0x0  }
0x6d: {  	[sflag:s0] =	ssyncadd.s32 @!p0 s1  }
0x6e: {  	[bflag:$0x3] =	sbarrier.arrive $0xFFFF  }
0x6f: {  	_ =	shalt  }

// kernel: kernel.14.cloned.1.call-start
scs
__scs_entry_jumppad:
0x0: {  	(pc) =	sbr.rel $0x88, $3  }
0x1: {  	(tag) =	ssettag $0x0;
	lr =	simm.s32 $0x1  }
0x2: {  	[smem:$0x3F96] =	sst lr;
	_ =	strace $0xD0000000  }
0x3: {  	_ = 	snop  }
0x4: {  	_ = 	snop  }
0x5: {  	_ = 	snop  }
0x6: {  	_ = 	snop  }
0x7: {  	_ = 	snop  }
__scs_overlays_trampoline_lowered:
0x8: {  	[smem:$0x3FA5] =	sst s0  }
0x9: {  	[smem:$0x3FA6] =	sst s1  }
0xa: {  	[smem:$0x3FA7] =	sst s2  }
0xb: {  	[smem:$0x3FA8] =	sst s3  }
0xc: {  	[smem:$0x3FA9] =	sst s4  }
0xd: {  	[smem:$0x3FAA] =	sst s5  }
0xe: {  	[smem:$0x3FAB] =	sst s6  }
0xf: {  	[smem:$0x3FAC] =	sst s7  }
0x10: {  	[smem:$0x3FAD] =	sst s8  }
0x11: {  	[smem:$0x3FAE] =	sst s9;
	s0 =	simm.s32 @!p0 $0x0  }
0x12: {  	s1 =	sld [smem:$0x3F94];
	s0 =	simm.s32 @p0 $0x1  }
0x13: {  	[smem:$0x3FAF] =	sst s0;
	s0 =	simm.s32 @!p1 $0x0  }
0x14: {  	s2 =	sld [smem:$0x3F93];
	s0 =	simm.s32 @p1 $0x1  }
0x15: {  	[smem:$0x3FB0] =	sst s0;
	s0 =	simm.s32 @!p2 $0x0  }
0x16: {  	s3 =	sld [smem:$0x3FDB];
	s0 =	simm.s32 @p2 $0x1  }
0x17: {  	s4 =	simm.s32 $0x1BF5;
	[smem:$0x3FB2] =	sst s0  }
0x18: {  	s0 =	sld [smem:$0x3F95];
	_ =	swait.ge [sflag:s4], $0x0  }
0x19: {  	s7 =	sld [smem:$0x3F96]  }
0x1a: {  	s8 =	sadd.s32 $0xFFFFE003, lr  }
0x1b: {  	s9 =	sadd.s32 $0xFFFFFEF7, lr;
	s5 =	simm.s32 $0xFFFFFFFF;
	p2 =	slt.u32 s8, $0xFFFFF086  }
0x1c: {  	p1 =	slt.u32 s9, $0xF7A;
	s5 =	simm.s32 @!p2 $0x0  }
0x1d: {  	s5 =	simm.s32 @p1 $0x1;
	p0 =	seq.s32 s7, s2  }
0x1e: {  	s7 =	smul.u32 @!p0 $0xF7A, s2;
	p2 =	seq.s32 @!p0 s5, $0x0  }
0x1f: {  	s9 =	smul.u32 $0xF7A, s1;
	s8 =	simm.s32 @!p0 $0x1BF5;
	p2 =	por !p2, p0  }
0x20: {  	[sflag:s8] =	ssyncset.s32 @!p0 $0xFFFFF086;
	s6 =	sadd.s32 @!p0 s3, s7;
	s7 =	simm.s32 @!p0 $0x108  }
0x21: {  	s3 =	sadd.s32 s3, s9;
	s6 =	sadd.s32 @!p0 $0x88, s6;
	s7 =	simm.s32 @p2 $0x1082  }
0x22: {  	[simem:s7], [sflag:s8] =	dma.local @!p0 [hbm:s6], $0xF7A  }
0x23: {  	s9 =	sor.u32 $0xD0000000, s2;
	s6 =	simm.s32 $0x108;
	_ =	swait.ge @!p0 [sflag:s8], $0x0  }
0x24: {  	s3 =	sadd.s32 $0x88, s3;
	s6 =	simm.s32 @!p1 $0x1082;
	[sflag:s4] =	ssyncset.s32 $0xFFFFF086  }
0x25: {  	[simem:s6], [sflag:s4] =	dma.local [hbm:s3], $0xF7A  }
0x26: {  	[smem:$0x3F96] =	sst s1;
	(tag) =	ssettag s2;
	_ =	strace s9  }
0x27: {  	s1 =	sld [smem:$0x3FA6]  }
0x28: {  	s2 =	sld [smem:$0x3FA7]  }
0x29: {  	s4 =	sld [smem:$0x3FA9]  }
0x2a: {  	p0 =	seq.s32 s5, $0x0;
	s5 =	sld [smem:$0x3FAA]  }
0x2b: {  	s6 =	sld [smem:$0x3FAB]  }
0x2c: {  	s7 =	sld [smem:$0x3FAC]  }
0x2d: {  	s3 =	simm.s32 $0x108;
	s8 =	sld [smem:$0x3FAD]  }
0x2e: {  	s3 =	simm.s32 @!p0 $0x1082;
	s9 =	sld [smem:$0x3FAE]  }
0x2f: {  	lr =	sadd.s32 s0, s3;
	s0 =	sld [smem:$0x3FA5]  }
0x30: {  	s3 =	sld [smem:$0x3FA8]  }
0x31: {  	[smem:$0x3FB1] =	sst s10  }
0x32: {  	s10 =	sld [smem:$0x3FAF];
	_ =	sdelay $0x3  }
0x33: {  	p0 =	seq.s32 s10, $0x1;
	s10 =	sld [smem:$0x3FB1];
	_ =	sdelay $0x3  }
0x34: {  	[smem:$0x3FB1] =	sst s10  }
0x35: {  	s10 =	sld [smem:$0x3FB0];
	_ =	sdelay $0x3  }
0x36: {  	p1 =	seq.s32 s10, $0x1;
	s10 =	sld [smem:$0x3FB1];
	_ =	sdelay $0x3  }
0x37: {  	[smem:$0x3FB1] =	sst s10  }
0x38: {  	s10 =	sld [smem:$0x3FB2]  }
0x39: {  	_ = 	snop;
	(pc) =	sbr.ind lr, $3  }
0x3a: {  	_ = 	snop  }
0x3b: {  	_ = 	snop  }
0x3c: {  	p2 =	seq.s32 s10, $0x1;
	s10 =	sld [smem:$0x3FB1]  }
0x3d: {  	_ =	shalt  }
0x3e: {  	_ =	shalt  }
0x3f: {  	_ =	shalt  }
0x40: {  	_ =	shalt  }
0x41: {  	_ =	shalt  }
0x42: {  	_ =	shalt  }
0x43: {  	_ =	shalt  }
0x44: {  	_ =	shalt  }
0x45: {  	_ =	shalt  }
0x46: {  	_ =	shalt  }
0x47: {  	_ =	shalt  }
0x48: {  	_ =	shalt  }
0x49: {  	_ =	shalt  }
0x4a: {  	_ =	shalt  }
0x4b: {  	_ =	shalt  }
0x4c: {  	_ =	shalt  }
0x4d: {  	_ =	shalt  }
0x4e: {  	_ =	shalt  }
0x4f: {  	_ =	shalt  }
0x50: {  	_ =	shalt  }
0x51: {  	_ =	shalt  }
0x52: {  	_ =	shalt  }
0x53: {  	_ =	shalt  }
0x54: {  	_ =	shalt  }
0x55: {  	_ =	shalt  }
0x56: {  	_ =	shalt  }
0x57: {  	_ =	shalt  }
0x58: {  	_ =	shalt  }
0x59: {  	_ =	shalt  }
0x5a: {  	_ =	shalt  }
0x5b: {  	_ =	shalt  }
0x5c: {  	_ =	shalt  }
0x5d: {  	_ =	shalt  }
0x5e: {  	_ =	shalt  }
0x5f: {  	_ =	shalt  }
0x60: {  	_ =	shalt  }
0x61: {  	_ =	shalt  }
0x62: {  	_ =	shalt  }
0x63: {  	_ =	shalt  }
0x64: {  	_ =	shalt  }
0x65: {  	_ =	shalt  }
0x66: {  	_ =	shalt  }
0x67: {  	_ =	shalt  }
0x68: {  	_ =	shalt  }
0x69: {  	_ =	shalt  }
0x6a: {  	_ =	shalt  }
0x6b: {  	_ =	shalt  }
0x6c: {  	_ =	shalt  }
0x6d: {  	_ =	shalt  }
0x6e: {  	_ =	shalt  }
0x6f: {  	_ =	shalt  }
0x70: {  	_ =	shalt  }
0x71: {  	_ =	shalt  }
0x72: {  	_ =	shalt  }
0x73: {  	_ =	shalt  }
0x74: {  	_ =	shalt  }
0x75: {  	_ =	shalt  }
0x76: {  	_ =	shalt  }
0x77: {  	_ =	shalt  }
0x78: {  	_ =	shalt  }
0x79: {  	_ =	shalt  }
0x7a: {  	_ =	shalt  }
0x7b: {  	_ =	shalt  }
0x7c: {  	_ =	shalt  }
0x7d: {  	_ =	shalt  }
0x7e: {  	_ =	shalt  }
0x7f: {  	_ =	shalt  }
0x80: {  	_ =	shalt  }
0x81: {  	_ =	shalt  }
0x82: {  	_ =	shalt  }
0x83: {  	_ =	shalt  }
0x84: {  	_ =	shalt  }
0x85: {  	_ =	shalt  }
0x86: {  	_ =	shalt  }
0x87: {  	_ =	shalt  }
.Lfunc_end0:
.L_simem_size_0:
called_computation.2_lowered:
.L_overlay_start_0:
0x88: {  	s2 =	sld [smem:$0x3FD9]  }
0x89: {  	s3 =	sld [smem:$0x3FFE];
	_ =	sdelay $0x1  }
0x8a: {  	s1 =	srdreg.scid  }
0x8b: {  	s0 =	sand.u32 $0x1, s1  }
0x8c: {  	s17 =	sshll.u32 s0, $0xA;
	s2 =	sadd.s32 s3, s2  }
0x8d: {  	s2 =	sadd.s32 s2, s17  }
0x8e: {  	[smem:$0x3FBD] =	sst s2  }
0x8f: {  	_ = 	snop  }
0x90: {  	s2 =	sld [smem:$0x3FD0];
	(tm) =	ssettm $0x1  }
0x91: {  	s18 =	sld [smem:$0x3FFB];
	_ =	sdelay $0x3  }
0x92: {  	_ =	strace s18  }
0x93: {  	s3 =	sld [smem:$0x3FFC];
	_ =	sdelay $0x3  }
0x94: {  	_ =	strace s3  }
0x95: {  	s3 =	sld [smem:$0x3FFD];
	_ =	sdelay $0x3  }
0x96: {  	_ =	strace s3  }
0x97: {  	_ =	strace $0x8FFFFFFF  }
0x98: {  	s19 =	sld [smem:$0x3FDB];
	_ =	sdelay $0x1  }
0x99: {  	s4 =	simm.s32 $_scs_section_size  }
0x9a: {  	s5 =	simm.s32 $_size__tile_overlayer_lowered;
	s6 =	simm.s32 $_tile_overlayer_lowered  }
0x9b: {  	s22 =	simm.s32 $0x1BFF;
	s21 =	sshll.u32 s6, $0x1;
	s3 =	sadd.s32 s4, s19  }
0x9c: {  	s7 =	simm.s32 $0x0;
	s20 =	sshll.u32 s5, $0x1;
	s5 =	sadd.s32 s21, s3  }
0x9d: {  	[timem:s7], [sflag:s22] =	dma.local [hbm:s5], s20  }
0x9e: {  	_ =	swait.ge [sflag:s22], s20  }
0x9f: {  	s4 =	ssub.s32 $0x0, s20;
	[sflag:s22] =	ssyncset.done $0x0  }
0xa0: {  	[sflag:s22] =	ssyncadd.s32 s4;
	_ =	sdelay $0x1  }
0xa1: {  	s23 =	simm.s32 $0x1B8B  }
0xa2: {  	_ =	swait.ge [sflag:s23], $0x1  }
0xa3: {  	[sflag:s23] =	ssyncset.done $0x0  }
0xa4: {  	s25 =	simm.s32 $0x1B8E;
	s24 =	sld [smem:$0x3FFE];
	[sflag:s23] =	ssyncadd.s32 $0xFFFFFFFF  }
0xa5: {  	s26 =	simm.s32 $execute0_lowered;
	[smem:$0x3FD2] =	sst s25  }
0xa6: {  	s5 =	sshll.u32 s26, $0x1;
	_ =	strace $0x8000004C;
	[dreg:$0x1] =	wrdreg $0xFFFFFFFF  }
0xa7: {  	s28 =	simm.s32 $_size_execute0_lowered;
	s3 =	sadd.s32 s3, s5;
	[dreg:$0x0] =	wrdreg $0x0  }
0xa8: {  	s5 =	sshll.u32 s28, $0x1;
	[dreg:$0x2] =	wrdreg s3  }
0xa9: {  	[dreg:$0x3] =	wrdreg s5  }
0xaa: {  	[dreg:$0x4] =	wrdreg $0xC0  }
0xab: {  	_ =	task [dreg:s7], $0x5FFFF  }
0xac: {  	[dreg:$0x1] =	wrdreg $0xFFFFFFFF  }
0xad: {  	[dreg:$0x0] =	wrdreg $0x60  }
0xae: {  	[dreg:$0x2] =	wrdreg s2  }
0xaf: {  	[dreg:$0x3] =	wrdreg s24  }
0xb0: {  	[dreg:$0x4] =	wrdreg $0x41000  }
0xb1: {  	[dreg:$0x5] =	wrdreg $0x9  }
0xb2: {  	_ =	task.clear_ibuf [dreg:s7], $0x6FFFF;
	_ =	strace $0x9000004C  }
0xb3: {  	s29 =	simm.s32 $0x9;
	_ =	strace $0x8000004E  }
0xb4: {  	_ =	swait.ge [sflag:s29], $0x1  }
0xb5: {  	[sflag:s29] =	ssyncadd.s32 $0xFFFFFFFF  }
0xb6: {  	_ =	strace $0x9000004E  }
0xb7: {  	_ =	sfence  }
0xb8: {  	s30 =	sld [smem:$0x0];
	_ =	sdelay $0x2  }
0xb9: {  	s31 =	sshll.u32 s1, $0xD;
	s1 =	sshrl.u32 s1, $0x2  }
0xba: {  	s3 =	sand.u32 $0x4000, s31;
	s1 =	sadd.s32 s1, s30  }
0xbb: {  	s0 =	sor.u32 s3, s0;
	s1 =	sshll.u32 s1, $0x11  }
0xbc: {  	s0 =	sor.u32 s1, s0  }
0xbd: {  	s0 =	sadd.s32 $0x8F2B, s0  }
0xbe: {  	[sflag:s0] =	ssyncadd.remote.s32 $0x1  }
0xbf: {  	_ =	sfence.sel $0xFFFF  }
0xc0: {  	[dreg:$0x0] =	wrdreg $0xFFFFFFFF;
	(pc) =	sbr.abs _section_cstart, $3  }
0xc1: {  	[dreg:$0x1] =	wrdreg $0xFFFFFFFF  }
0xc2: {  	_ =	task.clear_ibuf [dreg:s7], $0x2FFFF;
	_ =	strace $0x9FFFFFFF  }
0xc3: {  	(tm) =	ssettm $0x7FFFFFFF  }
tec
execute0_lowered:
.L_overlay_start_1:
0x0: {  	(tag) =	ssettag $0x1  }
0x1: {  	s0 =	rddreg [dreg:$0x0]  }
0x2: {  	s5 =	rddreg [dreg:$0x1];
	s1 =	srdreg.scid  }
0x3: {  	s3 =	rddreg [dreg:$0x2];
	s2 =	stileid.u32  }
0x4: {  	s4 =	simm.s32 $0x0;
	s15 =	simm.s32 $0x80;
	s8 =	smul.u32 $0x14000, s2  }
0x5: {  	s16 =	simm.s32 $0x1;
	s19 =	simm.s32 $0x0;
	s10 =	smul.u32 $0x50000, s2  }
0x6: {  	s6 =	sand.u32 $0x1, s1;
	s1 =	rddreg [dreg:$0x3];
	s14 =	smul.u32 $0xA00, s2  }
0x7: {  	[smem:$0x7FF] =	sst s4;
	s17 =	sshll.u32 s2, $0x6;
	s7 =	smul.u32 $0xA000, s6  }
0x8: {  	s9 =	smul.u32 $0x140000, s6;
	_ =	strace $0x8000004D;
	s6 =	ssub.s32 $0x2, s6  }
0x9: {  	s17 =	sor.u32 $0x1C02, s17;
	s30 =	sshrl.u32 s6, $0x1;
	s10 =	sshrl.u32 s10, $0x2  }
0xa: {  	s12 =	sadd.s32 s7, s5;
	s29 =	sadd.s32 s8, s9;
	s31 =	sadd.s32 s10, s3  }
0xb: {  	s13 =	ssub.s32 s6, s30;
	s7 =	sshrl.u32 s29, $0x3;
	s6 =	sadd.s32 $0x4000, s31  }
0xc: {  	s9 =	sadd.s32 $0x10000, s31;
	s12 =	sadd.s32 s14, s12;
	s14 =	simm.s32 $0x2  }
0xd: {  	s11 =	sadd.s32 s7, s5;
	s5 =	sadd.s32 s8, s3;
	s7 =	sadd.s32 $0x8000, s31  }
0xe: {  	s8 =	sadd.s32 $0xC000, s31;
	s12 =	sadd.s32 $0x3C00, s12;
	s10 =	sadd.s32 $0x17C00, s11  }
0xf: {  	v0 =	vimm.f32 $0.0e+00;
	s11 =	smax.u32 s13, $0x1;
	s13 =	simm.s32 $0x100;
	s18 =	sshrl.u32 s5, $0x3  }
.LBB2_1:
0x10: {  	s20 =	simm.s32 $0x0;
	s21 =	simm.s32 $0x200  }
.LBB2_2:
0x11: {  	p0 =	sne.s32 s21, $0xFE00;
	[tilespmem:s20+$0x170] =	vst v0  }
0x12: {  	[tilespmem:s20+$0x100] =	vst v0  }
0x13: {  	[tilespmem:s20+$0x110] =	vst v0  }
.Ltmp0:
0x14: {  	[tilespmem:s20+$0x120] =	vst v0;
	(pc) =	sbr.rel @p0 .LBB2_2-.Ltmp0, $4  }
0x15: {  	[tilespmem:s20+$0x130] =	vst v0  }
0x16: {  	[tilespmem:s20+$0x140] =	vst v0  }
0x17: {  	[tilespmem:s20+$0x150] =	vst v0  }
0x18: {  	[tilespmem:s20+$0x160] =	vst v0;
	s20 =	sshra.s32 s21, $0x2;
	s21 =	sadd.s32 $0x200, s21  }
0x19: {  	[tilespmem:s20+$0x170] =	vst v0  }
0x1a: {  	[tilespmem:s20+$0x100] =	vst v0  }
0x1b: {  	[tilespmem:s20+$0x110] =	vst v0  }
0x1c: {  	[tilespmem:s20+$0x120] =	vst v0  }
0x1d: {  	[tilespmem:s20+$0x130] =	vst v0  }
0x1e: {  	[tilespmem:s20+$0x140] =	vst v0  }
0x1f: {  	[tilespmem:s20+$0x150] =	vst v0  }
0x20: {  	[tilespmem:s20+$0x160] =	vst v0  }
0x21: {  	[spmem:s5] =	stream.linear.scatter [tilespmem:s13], [sflag:$0x2], $0x4000, $0x38;
	[tilespmem:$0x18100] =	vst v63  }
0x22: {  	_ =	swait.ge [sflag:s14], $0x4000  }
0x23: {  	[sflag:s14] =	ssyncset.done $0x0  }
0x24: {  	[sflag:s14] =	ssyncadd.s32 $0xFFFFC000  }
0x25: {  	[spmem:s6] =	stream.linear.scatter [tilespmem:s13], [sflag:$0x2], $0x4000, $0x38;
	[tilespmem:$0x18100] =	vst v63  }
0x26: {  	_ =	swait.ge [sflag:s14], $0x4000  }
0x27: {  	[sflag:s14] =	ssyncset.done $0x0  }
0x28: {  	[sflag:s14] =	ssyncadd.s32 $0xFFFFC000  }
0x29: {  	[spmem:s7] =	stream.linear.scatter [tilespmem:s13], [sflag:$0x2], $0x4000, $0x38;
	[tilespmem:$0x18100] =	vst v63  }
0x2a: {  	_ =	swait.ge [sflag:s14], $0x4000  }
0x2b: {  	[sflag:s14] =	ssyncset.done $0x0  }
0x2c: {  	[sflag:s14] =	ssyncadd.s32 $0xFFFFC000  }
0x2d: {  	[spmem:s8] =	stream.linear.scatter [tilespmem:s13], [sflag:$0x2], $0x4000, $0x38;
	[tilespmem:$0x18100] =	vst v63  }
0x2e: {  	_ =	swait.ge [sflag:s14], $0x4000  }
0x2f: {  	[sflag:s14] =	ssyncset.done $0x0  }
0x30: {  	[sflag:s14] =	ssyncadd.s32 $0xFFFFC000  }
0x31: {  	[spmem:s9] =	stream.linear.scatter [tilespmem:s13], [sflag:$0x2], $0x4000, $0x38;
	[tilespmem:$0x18100] =	vst v63  }
0x32: {  	_ =	swait.ge [sflag:s14], $0x4000  }
0x33: {  	[sflag:s14] =	ssyncset.done $0x0  }
0x34: {  	[sflag:s14] =	ssyncadd.s32 $0xFFFFC000  }
0x35: {  	s31 =	sadd.s32 $0x0, s12;
	[bflag:$0x0] =	sbarrier.arrive $0xFFFF  }
0x36: {  	[tilespmem:s4], [sflag:$0x2] =	stream.linear.gather [hbm4b:s31+s4], $0x100, $0x38;
	[tilespmem:$0x18100] =	vst v63  }
0x37: {  	_ =	swait.ge [sflag:s14], $0x100  }
0x38: {  	[sflag:s14] =	ssyncset.done $0x0  }
0x39: {  	[sflag:s14] =	ssyncadd.s32 $0xFFFFFF00  }
0x3a: {  	[tilespmem:s13], [sflag:$0x1] =	stream.indirect.gather [hbm4b:s0+s15], $0x80, s4, s15, $0xb8;
	[tilespmem:$0x18100] =	vst v63  }
0x3b: {  	_ =	swait.ge [sflag:s16], $0x4000  }
0x3c: {  	[sflag:s16] =	ssyncset.done $0x0  }
0x3d: {  	[sflag:s16] =	ssyncadd.s32 $0xFFFFC000  }
0x3e: {  	[spmem:s3] =	stream.indirect.scatter.add.f32 [tilespmem:s13], [sflag:$0x2], $0x80, s15, s15, $0xb8;
	[tilespmem:$0x18100] =	vst v63  }
0x3f: {  	_ =	swait.ge [sflag:s14], $0x4000  }
0x40: {  	s20 =	simm.s32 $0x20;
	s21 =	simm.s32 $0x40;
	[sflag:s14] =	ssyncset.done $0x0  }
.LBB2_4:
0x41: {  	s22 =	sadd.s32 s20, s12  }
0x42: {  	[sflag:s14] =	ssyncadd.s32 $0xFFFFC000;
	s20 =	smov.u32 s21;
	s23 =	sadd.s32 $0x20, s21  }
0x43: {  	[tilespmem:s4], [sflag:$0x2] =	stream.linear.gather [hbm4b:s22+s4], $0x100, $0x38;
	[tilespmem:$0x18100] =	vst v63  }
0x44: {  	p0 =	sne.s32 s21, $0x9E0;
	_ =	swait.ge [sflag:s14], $0x100  }
0x45: {  	[sflag:s14] =	ssyncset.done $0x0  }
0x46: {  	[sflag:s14] =	ssyncadd.s32 $0xFFFFFF00  }
0x47: {  	[tilespmem:s13], [sflag:$0x1] =	stream.indirect.gather [hbm4b:s0+s15], $0x80, s4, s15, $0xb8;
	[tilespmem:$0x18100] =	vst v63  }
0x48: {  	_ =	swait.ge [sflag:s16], $0x4000  }
.Ltmp1:
0x49: {  	[sflag:s16] =	ssyncset.done $0x0;
	(pc) =	sbr.rel @p0 .LBB2_4-.Ltmp1, $4  }
0x4a: {  	[sflag:s16] =	ssyncadd.s32 $0xFFFFC000  }
0x4b: {  	[spmem:s3] =	stream.indirect.scatter.add.f32 [tilespmem:s13], [sflag:$0x2], $0x80, s15, s15, $0xb8;
	[tilespmem:$0x18100] =	vst v63  }
0x4c: {  	_ =	swait.ge [sflag:s14], $0x4000  }
0x4d: {  	s21 =	smov.u32 s23;
	[sflag:s14] =	ssyncset.done $0x0  }
0x4e: {  	s20 =	sadd.s32 s20, s12;
	[sflag:s14] =	ssyncadd.s32 $0xFFFFC000  }
0x4f: {  	[tilespmem:s4], [sflag:$0x2] =	stream.linear.gather [hbm4b:s20+s4], $0x100, $0x38;
	[tilespmem:$0x18100] =	vst v63  }
0x50: {  	_ =	swait.ge [sflag:s14], $0x100  }
0x51: {  	[sflag:s14] =	ssyncset.done $0x0  }
0x52: {  	[sflag:s14] =	ssyncadd.s32 $0xFFFFFF00  }
0x53: {  	[tilespmem:s13], [sflag:$0x1] =	stream.indirect.gather [hbm4b:s0+s15], $0x80, s4, s15, $0xb8;
	[tilespmem:$0x18100] =	vst v63  }
0x54: {  	_ =	swait.ge [sflag:s16], $0x4000  }
0x55: {  	[sflag:s16] =	ssyncset.done $0x0  }
0x56: {  	[sflag:s16] =	ssyncadd.s32 $0xFFFFC000  }
0x57: {  	[spmem:s3] =	stream.indirect.scatter.add.f32 [tilespmem:s13], [sflag:$0x2], $0x80, s15, s15, $0xb8;
	[tilespmem:$0x18100] =	vst v63  }
0x58: {  	_ =	swait.ge [sflag:s14], $0x4000  }
0x59: {  	s19 =	sadd.s32 $0x1, s19;
	[sflag:s14] =	ssyncset.done $0x0  }
0x5a: {  	p0 =	sne.s32 s19, s11;
	[sflag:s14] =	ssyncadd.s32 $0xFFFFC000  }
.Ltmp2:
0x5b: {  	[bflag:$0x0] =	sbarrier.arrive $0xFFFF;
	(pc) =	sbr.rel @p0 .LBB2_1-.Ltmp2, $4  }
0x5c: {  	[hbm:s10], [sflag:s17] =	dma.local [spmem:s18], $0x2800  }
0x5d: {  	_ =	swait.ge [sflag:s14], $0x2800  }
0x5e: {  	[sflag:s14] =	ssyncset.done $0x0  }
0x5f: {  	[sflag:s14] =	ssyncadd.s32 $0xFFFFD800  }
0x60: {  	_ =	sfence.sel $0x180000  }
0x61: {  	[bflag:$0x0] =	sbarrier.arrive $0xFFFF  }
0x62: {  	p0 =	sne.s32 s2, $0x0;
	_ =	strace $0x9000004D  }
0x63: {  	s0 =	sadd.s32 @!p0 $0x100000, s1;
	[bflag:$0x2] =	sbarrier.arrive $0xFFFF  }
0x64: {  	[sflag:s0] =	ssyncadd.tile.s32 @!p0 $0x1;
	_ =	shalt  }
.Lfunc_end2:
_tile_overlayer_lowered:
.L_overlay_start_2:
0x65: {  	(tag) =	ssettag $0x2  }
0x66: {  	s0 =	rddreg [dreg:$0x0];
	s2 =	stileid.u32  }
0x67: {  	s1 =	rddreg [dreg:$0x1];
	p0 =	sne.s32 s2, $0x0  }
0x68: {  	s3 =	rddreg [dreg:$0x2];
	[bflag:$0x3] =	sbarrier.arrive $0xFFFF;
	s2 =	simm.s32 @!p0 $0x1C02  }
0x69: {  	[timem:s3], [sflag:s2] =	dma.local @!p0 [hbm:s0], s1  }
0x6a: {  	s0 =	simm.s32 @!p0 $0x2  }
0x6b: {  	_ =	swait.ge @!p0 [sflag:s0], s1  }
0x6c: {  	s1 =	ssub.s32 @!p0 $0x0, s1;
	[sflag:s0] =	ssyncset.done @!p0 $0x0  }
0x6d: {  	[sflag:s0] =	ssyncadd.s32 @!p0 s1  }
0x6e: {  	[bflag:$0x3] =	sbarrier.arrive $0xFFFF  }
0x6f: {  	_ =	shalt  }

// kernel: kernel.8.cloned.1.call-start
scs
__scs_entry_jumppad:
0x0: {  	(pc) =	sbr.rel $0x88, $3  }
0x1: {  	(tag) =	ssettag $0x0;
	lr =	simm.s32 $0x1  }
0x2: {  	[smem:$0x3F96] =	sst lr;
	_ =	strace $0xD0000000  }
0x3: {  	_ = 	snop  }
0x4: {  	_ = 	snop  }
0x5: {  	_ = 	snop  }
0x6: {  	_ = 	snop  }
0x7: {  	_ = 	snop  }
__scs_overlays_trampoline_lowered:
0x8: {  	[smem:$0x3FA5] =	sst s0  }
0x9: {  	[smem:$0x3FA6] =	sst s1  }
0xa: {  	[smem:$0x3FA7] =	sst s2  }
0xb: {  	[smem:$0x3FA8] =	sst s3  }
0xc: {  	[smem:$0x3FA9] =	sst s4  }
0xd: {  	[smem:$0x3FAA] =	sst s5  }
0xe: {  	[smem:$0x3FAB] =	sst s6  }
0xf: {  	[smem:$0x3FAC] =	sst s7  }
0x10: {  	[smem:$0x3FAD] =	sst s8  }
0x11: {  	[smem:$0x3FAE] =	sst s9;
	s0 =	simm.s32 @!p0 $0x0  }
0x12: {  	s1 =	sld [smem:$0x3F94];
	s0 =	simm.s32 @p0 $0x1  }
0x13: {  	[smem:$0x3FAF] =	sst s0;
	s0 =	simm.s32 @!p1 $0x0  }
0x14: {  	s2 =	sld [smem:$0x3F93];
	s0 =	simm.s32 @p1 $0x1  }
0x15: {  	[smem:$0x3FB0] =	sst s0;
	s0 =	simm.s32 @!p2 $0x0  }
0x16: {  	s3 =	sld [smem:$0x3FDB];
	s0 =	simm.s32 @p2 $0x1  }
0x17: {  	s4 =	simm.s32 $0x1BF5;
	[smem:$0x3FB2] =	sst s0  }
0x18: {  	s0 =	sld [smem:$0x3F95];
	_ =	swait.ge [sflag:s4], $0x0  }
0x19: {  	s7 =	sld [smem:$0x3F96]  }
0x1a: {  	s8 =	sadd.s32 $0xFFFFE003, lr  }
0x1b: {  	s9 =	sadd.s32 $0xFFFFFEF7, lr;
	s5 =	simm.s32 $0xFFFFFFFF;
	p2 =	slt.u32 s8, $0xFFFFF086  }
0x1c: {  	p1 =	slt.u32 s9, $0xF7A;
	s5 =	simm.s32 @!p2 $0x0  }
0x1d: {  	s5 =	simm.s32 @p1 $0x1;
	p0 =	seq.s32 s7, s2  }
0x1e: {  	s7 =	smul.u32 @!p0 $0xF7A, s2;
	p2 =	seq.s32 @!p0 s5, $0x0  }
0x1f: {  	s9 =	smul.u32 $0xF7A, s1;
	s8 =	simm.s32 @!p0 $0x1BF5;
	p2 =	por !p2, p0  }
0x20: {  	[sflag:s8] =	ssyncset.s32 @!p0 $0xFFFFF086;
	s6 =	sadd.s32 @!p0 s3, s7;
	s7 =	simm.s32 @!p0 $0x108  }
0x21: {  	s3 =	sadd.s32 s3, s9;
	s6 =	sadd.s32 @!p0 $0x88, s6;
	s7 =	simm.s32 @p2 $0x1082  }
0x22: {  	[simem:s7], [sflag:s8] =	dma.local @!p0 [hbm:s6], $0xF7A  }
0x23: {  	s9 =	sor.u32 $0xD0000000, s2;
	s6 =	simm.s32 $0x108;
	_ =	swait.ge @!p0 [sflag:s8], $0x0  }
0x24: {  	s3 =	sadd.s32 $0x88, s3;
	s6 =	simm.s32 @!p1 $0x1082;
	[sflag:s4] =	ssyncset.s32 $0xFFFFF086  }
0x25: {  	[simem:s6], [sflag:s4] =	dma.local [hbm:s3], $0xF7A  }
0x26: {  	[smem:$0x3F96] =	sst s1;
	(tag) =	ssettag s2;
	_ =	strace s9  }
0x27: {  	s1 =	sld [smem:$0x3FA6]  }
0x28: {  	s2 =	sld [smem:$0x3FA7]  }
0x29: {  	s4 =	sld [smem:$0x3FA9]  }
0x2a: {  	p0 =	seq.s32 s5, $0x0;
	s5 =	sld [smem:$0x3FAA]  }
0x2b: {  	s6 =	sld [smem:$0x3FAB]  }
0x2c: {  	s7 =	sld [smem:$0x3FAC]  }
0x2d: {  	s3 =	simm.s32 $0x108;
	s8 =	sld [smem:$0x3FAD]  }
0x2e: {  	s3 =	simm.s32 @!p0 $0x1082;
	s9 =	sld [smem:$0x3FAE]  }
0x2f: {  	lr =	sadd.s32 s0, s3;
	s0 =	sld [smem:$0x3FA5]  }
0x30: {  	s3 =	sld [smem:$0x3FA8]  }
0x31: {  	[smem:$0x3FB1] =	sst s10  }
0x32: {  	s10 =	sld [smem:$0x3FAF];
	_ =	sdelay $0x3  }
0x33: {  	p0 =	seq.s32 s10, $0x1;
	s10 =	sld [smem:$0x3FB1];
	_ =	sdelay $0x3  }
0x34: {  	[smem:$0x3FB1] =	sst s10  }
0x35: {  	s10 =	sld [smem:$0x3FB0];
	_ =	sdelay $0x3  }
0x36: {  	p1 =	seq.s32 s10, $0x1;
	s10 =	sld [smem:$0x3FB1];
	_ =	sdelay $0x3  }
0x37: {  	[smem:$0x3FB1] =	sst s10  }
0x38: {  	s10 =	sld [smem:$0x3FB2]  }
0x39: {  	_ = 	snop;
	(pc) =	sbr.ind lr, $3  }
0x3a: {  	_ = 	snop  }
0x3b: {  	_ = 	snop  }
0x3c: {  	p2 =	seq.s32 s10, $0x1;
	s10 =	sld [smem:$0x3FB1]  }
0x3d: {  	_ =	shalt  }
0x3e: {  	_ =	shalt  }
0x3f: {  	_ =	shalt  }
0x40: {  	_ =	shalt  }
0x41: {  	_ =	shalt  }
0x42: {  	_ =	shalt  }
0x43: {  	_ =	shalt  }
0x44: {  	_ =	shalt  }
0x45: {  	_ =	shalt  }
0x46: {  	_ =	shalt  }
0x47: {  	_ =	shalt  }
0x48: {  	_ =	shalt  }
0x49: {  	_ =	shalt  }
0x4a: {  	_ =	shalt  }
0x4b: {  	_ =	shalt  }
0x4c: {  	_ =	shalt  }
0x4d: {  	_ =	shalt  }
0x4e: {  	_ =	shalt  }
0x4f: {  	_ =	shalt  }
0x50: {  	_ =	shalt  }
0x51: {  	_ =	shalt  }
0x52: {  	_ =	shalt  }
0x53: {  	_ =	shalt  }
0x54: {  	_ =	shalt  }
0x55: {  	_ =	shalt  }
0x56: {  	_ =	shalt  }
0x57: {  	_ =	shalt  }
0x58: {  	_ =	shalt  }
0x59: {  	_ =	shalt  }
0x5a: {  	_ =	shalt  }
0x5b: {  	_ =	shalt  }
0x5c: {  	_ =	shalt  }
0x5d: {  	_ =	shalt  }
0x5e: {  	_ =	shalt  }
0x5f: {  	_ =	shalt  }
0x60: {  	_ =	shalt  }
0x61: {  	_ =	shalt  }
0x62: {  	_ =	shalt  }
0x63: {  	_ =	shalt  }
0x64: {  	_ =	shalt  }
0x65: {  	_ =	shalt  }
0x66: {  	_ =	shalt  }
0x67: {  	_ =	shalt  }
0x68: {  	_ =	shalt  }
0x69: {  	_ =	shalt  }
0x6a: {  	_ =	shalt  }
0x6b: {  	_ =	shalt  }
0x6c: {  	_ =	shalt  }
0x6d: {  	_ =	shalt  }
0x6e: {  	_ =	shalt  }
0x6f: {  	_ =	shalt  }
0x70: {  	_ =	shalt  }
0x71: {  	_ =	shalt  }
0x72: {  	_ =	shalt  }
0x73: {  	_ =	shalt  }
0x74: {  	_ =	shalt  }
0x75: {  	_ =	shalt  }
0x76: {  	_ =	shalt  }
0x77: {  	_ =	shalt  }
0x78: {  	_ =	shalt  }
0x79: {  	_ =	shalt  }
0x7a: {  	_ =	shalt  }
0x7b: {  	_ =	shalt  }
0x7c: {  	_ =	shalt  }
0x7d: {  	_ =	shalt  }
0x7e: {  	_ =	shalt  }
0x7f: {  	_ =	shalt  }
0x80: {  	_ =	shalt  }
0x81: {  	_ =	shalt  }
0x82: {  	_ =	shalt  }
0x83: {  	_ =	shalt  }
0x84: {  	_ =	shalt  }
0x85: {  	_ =	shalt  }
0x86: {  	_ =	shalt  }
0x87: {  	_ =	shalt  }
.Lfunc_end0:
.L_simem_size_0:
called_computation_lowered:
.L_overlay_start_0:
0x88: {  	s2 =	sld [smem:$0x3FD9]  }
0x89: {  	s3 =	sld [smem:$0x3FFE];
	_ =	sdelay $0x1  }
0x8a: {  	s1 =	srdreg.scid  }
0x8b: {  	s0 =	sand.u32 $0x1, s1  }
0x8c: {  	s17 =	sshll.u32 s0, $0xA;
	s2 =	sadd.s32 s3, s2  }
0x8d: {  	s2 =	sadd.s32 s2, s17  }
0x8e: {  	[smem:$0x3FBD] =	sst s2  }
0x8f: {  	_ = 	snop  }
0x90: {  	s2 =	sld [smem:$0x3FC9]  }
0x91: {  	s18 =	sld [smem:$0x3FD0];
	(tm) =	ssettm $0x1  }
0x92: {  	s4 =	sld [smem:$0x3FFB];
	_ =	sdelay $0x3  }
0x93: {  	_ =	strace s4  }
0x94: {  	s4 =	sld [smem:$0x3FFC];
	_ =	sdelay $0x3  }
0x95: {  	_ =	strace s4  }
0x96: {  	s4 =	sld [smem:$0x3FFD];
	_ =	sdelay $0x3  }
0x97: {  	_ =	strace s4  }
0x98: {  	_ =	strace $0x8FFFFFFF  }
0x99: {  	s19 =	sld [smem:$0x3FDB];
	_ =	sdelay $0x1  }
0x9a: {  	s5 =	simm.s32 $_scs_section_size  }
0x9b: {  	s6 =	simm.s32 $_size__tile_overlayer_lowered;
	s7 =	simm.s32 $_tile_overlayer_lowered  }
0x9c: {  	s22 =	simm.s32 $0x1BFF;
	s21 =	sshll.u32 s7, $0x1;
	s4 =	sadd.s32 s5, s19  }
0x9d: {  	s8 =	simm.s32 $0x0;
	s20 =	sshll.u32 s6, $0x1;
	s6 =	sadd.s32 s21, s4  }
0x9e: {  	[timem:s8], [sflag:s22] =	dma.local [hbm:s6], s20  }
0x9f: {  	_ =	swait.ge [sflag:s22], s20  }
0xa0: {  	s5 =	ssub.s32 $0x0, s20;
	[sflag:s22] =	ssyncset.done $0x0  }
0xa1: {  	[sflag:s22] =	ssyncadd.s32 s5;
	_ =	sdelay $0x1  }
0xa2: {  	s23 =	simm.s32 $0x1B8B  }
0xa3: {  	_ =	swait.ge [sflag:s23], $0x1  }
0xa4: {  	[sflag:s23] =	ssyncset.done $0x0  }
0xa5: {  	s25 =	simm.s32 $0x1B8E;
	s24 =	sld [smem:$0x3FFE];
	[sflag:s23] =	ssyncadd.s32 $0xFFFFFFFF  }
0xa6: {  	s26 =	simm.s32 $execute0_lowered;
	[smem:$0x3FD2] =	sst s25  }
0xa7: {  	s6 =	sshll.u32 s26, $0x1;
	_ =	strace $0x80000046;
	[dreg:$0x1] =	wrdreg $0xFFFFFFFF  }
0xa8: {  	s28 =	simm.s32 $_size_execute0_lowered;
	s4 =	sadd.s32 s4, s6;
	[dreg:$0x0] =	wrdreg $0x0  }
0xa9: {  	s6 =	sshll.u32 s28, $0x1;
	[dreg:$0x2] =	wrdreg s4  }
0xaa: {  	[dreg:$0x3] =	wrdreg s6  }
0xab: {  	[dreg:$0x4] =	wrdreg $0xC0  }
0xac: {  	_ =	task [dreg:s8], $0x5FFFF  }
0xad: {  	[dreg:$0x1] =	wrdreg $0xFFFFFFFF  }
0xae: {  	[dreg:$0x0] =	wrdreg $0x60  }
0xaf: {  	[dreg:$0x2] =	wrdreg s2  }
0xb0: {  	[dreg:$0x3] =	wrdreg s24  }
0xb1: {  	[dreg:$0x4] =	wrdreg s18  }
0xb2: {  	[dreg:$0x5] =	wrdreg $0x41000  }
0xb3: {  	[dreg:$0x6] =	wrdreg $0x189000  }
0xb4: {  	[dreg:$0x7] =	wrdreg $0x9  }
0xb5: {  	_ =	task.clear_ibuf [dreg:s8], $0x8FFFF;
	_ =	strace $0x90000046  }
0xb6: {  	s29 =	simm.s32 $0x9;
	_ =	strace $0x80000048  }
0xb7: {  	_ =	swait.ge [sflag:s29], $0x1  }
0xb8: {  	[sflag:s29] =	ssyncadd.s32 $0xFFFFFFFF  }
0xb9: {  	_ =	strace $0x90000048  }
0xba: {  	_ =	sfence  }
0xbb: {  	s30 =	sld [smem:$0x0];
	_ =	sdelay $0x2  }
0xbc: {  	s31 =	sshll.u32 s1, $0xD;
	s1 =	sshrl.u32 s1, $0x2  }
0xbd: {  	s3 =	sand.u32 $0x4000, s31;
	s1 =	sadd.s32 s1, s30  }
0xbe: {  	s0 =	sor.u32 s3, s0;
	s1 =	sshll.u32 s1, $0x11  }
0xbf: {  	s0 =	sor.u32 s1, s0  }
0xc0: {  	s0 =	sadd.s32 $0x8F2B, s0  }
0xc1: {  	[sflag:s0] =	ssyncadd.remote.s32 $0x1  }
0xc2: {  	_ =	sfence.sel $0xFFFF  }
0xc3: {  	[dreg:$0x0] =	wrdreg $0xFFFFFFFF;
	(pc) =	sbr.abs _section_cstart, $3  }
0xc4: {  	[dreg:$0x1] =	wrdreg $0xFFFFFFFF  }
0xc5: {  	_ =	task.clear_ibuf [dreg:s8], $0x2FFFF;
	_ =	strace $0x9FFFFFFF  }
0xc6: {  	(tm) =	ssettm $0x7FFFFFFF  }
0xc7: {  	_ =	shalt  }
tec
execute0_lowered:
.L_overlay_start_1:
0x0: {  	(tag) =	ssettag $0x1  }
0x1: {  	s0 =	rddreg [dreg:$0x0]  }
0x2: {  	s6 =	rddreg [dreg:$0x1]  }
0x3: {  	s17 =	rddreg [dreg:$0x2];
	s3 =	stileid.u32  }
0x4: {  	s2 =	rddreg [dreg:$0x3];
	s8 =	smul.u32 $0x14000, s3  }
0x5: {  	s1 =	srdreg.scid;
	s10 =	smul.u32 $0x280, s3  }
0x6: {  	s4 =	rddreg [dreg:$0x4];
	s5 =	simm.s32 $0x0;
	s21 =	smul.u32 $0x2800, s3  }
0x7: {  	s14 =	sand.u32 $0x1, s1;
	s1 =	rddreg [dreg:$0x5];
	s31 =	smul.u32 $0xA00, s3  }
0x8: {  	[smem:$0x7FF] =	sst s5;
	s7 =	smul.u32 $0xA000, s14  }
0x9: {  	s9 =	smul.u32 $0x140000, s14;
	_ =	strace $0x80000047;
	s24 =	ssub.s32 $0x2, s14  }
0xa: {  	s22 =	smul.u32 $0x28000, s14;
	s11 =	sshrl.u32 s24, $0x1;
	s12 =	sadd.s32 $0x80, s10  }
0xb: {  	s13 =	sadd.s32 $0x100, s10;
	s15 =	sadd.s32 $0x180, s10;
	s20 =	sadd.s32 $0x200, s10  }
0xc: {  	s18 =	sadd.s32 s7, s6;
	s23 =	sadd.s32 s8, s9;
	s19 =	ssub.s32 s24, s11  }
0xd: {  	s25 =	sshll.u32 s12, $0x7;
	s26 =	sshll.u32 s13, $0x7;
	s28 =	sshll.u32 s15, $0x7  }
0xe: {  	s10 =	sshll.u32 s20, $0x7;
	s11 =	sadd.s32 s21, s4;
	s12 =	sshll.u32 s12, $0x4  }
0xf: {  	s13 =	sshll.u32 s13, $0x4;
	s29 =	sshll.u32 s15, $0x4;
	s30 =	sshll.u32 s20, $0x4  }
0x10: {  	s21 =	sadd.s32 s21, s22;
	s22 =	simm.s32 $0x18100;
	s24 =	simm.s32 $0x1  }
0x11: {  	s7 =	sshrl.u32 s23, $0x3;
	s9 =	sadd.s32 s28, s2;
	s10 =	sadd.s32 s10, s2  }
0x12: {  	s12 =	sadd.s32 s12, s4;
	s13 =	sadd.s32 s13, s4;
	s14 =	sadd.s32 s29, s4  }
0x13: {  	s15 =	sadd.s32 s30, s4;
	s21 =	sshrl.u32 s21, $0x3;
	s20 =	sadd.s32 s31, s18  }
0x14: {  	s18 =	smax.u32 s19, $0x1;
	s23 =	simm.s32 $0x80;
	s16 =	sadd.s32 s7, s6  }
0x15: {  	s6 =	sadd.s32 s8, s2;
	s7 =	sadd.s32 s25, s2;
	s8 =	sadd.s32 s26, s2  }
0x16: {  	s17 =	sadd.s32 s17, s21;
	s19 =	sadd.s32 $0x3C00, s20;
	s20 =	simm.s32 $0x100  }
0x17: {  	v0 =	vimm.f32 $0.0e+00;
	v1 =	vimm.f32 $1.000000000e+00;
	s21 =	simm.s32 $0x2;
	s25 =	simm.s32 $0x0;
	s16 =	sadd.s32 $0x17C00, s16  }
.LBB2_1:
0x18: {  	s26 =	simm.s32 $0x0;
	s28 =	simm.s32 $0x200  }
.LBB2_2:
0x19: {  	p0 =	sne.s32 s28, $0xFE00;
	[tilespmem:s26+$0x170] =	vst v0  }
0x1a: {  	[tilespmem:s26+$0x100] =	vst v0  }
0x1b: {  	[tilespmem:s26+$0x110] =	vst v0  }
.Ltmp0:
0x1c: {  	[tilespmem:s26+$0x120] =	vst v0;
	(pc) =	sbr.rel @p0 .LBB2_2-.Ltmp0, $4  }
0x1d: {  	[tilespmem:s26+$0x130] =	vst v0  }
0x1e: {  	[tilespmem:s26+$0x140] =	vst v0  }
0x1f: {  	[tilespmem:s26+$0x150] =	vst v0  }
0x20: {  	[tilespmem:s26+$0x160] =	vst v0;
	s26 =	sshra.s32 s28, $0x2;
	s28 =	sadd.s32 $0x200, s28  }
0x21: {  	[tilespmem:s26+$0x170] =	vst v0  }
0x22: {  	[tilespmem:s26+$0x100] =	vst v0  }
0x23: {  	[tilespmem:s26+$0x110] =	vst v0  }
0x24: {  	[tilespmem:s26+$0x120] =	vst v0  }
0x25: {  	[tilespmem:s26+$0x130] =	vst v0  }
0x26: {  	[tilespmem:s26+$0x140] =	vst v0  }
0x27: {  	[tilespmem:s26+$0x150] =	vst v0  }
0x28: {  	[tilespmem:s26+$0x160] =	vst v0  }
0x29: {  	[spmem:s6] =	stream.linear.scatter [tilespmem:s20], [sflag:$0x2], $0x4000, $0x38;
	[tilespmem:$0x1B100] =	vst v63  }
0x2a: {  	_ =	swait.ge [sflag:s21], $0x4000  }
0x2b: {  	[sflag:s21] =	ssyncset.done $0x0  }
0x2c: {  	[sflag:s21] =	ssyncadd.s32 $0xFFFFC000  }
0x2d: {  	[spmem:s7] =	stream.linear.scatter [tilespmem:s20], [sflag:$0x2], $0x4000, $0x38;
	[tilespmem:$0x1B100] =	vst v63  }
0x2e: {  	_ =	swait.ge [sflag:s21], $0x4000  }
0x2f: {  	[sflag:s21] =	ssyncset.done $0x0  }
0x30: {  	[sflag:s21] =	ssyncadd.s32 $0xFFFFC000  }
0x31: {  	[spmem:s8] =	stream.linear.scatter [tilespmem:s20], [sflag:$0x2], $0x4000, $0x38;
	[tilespmem:$0x1B100] =	vst v63  }
0x32: {  	_ =	swait.ge [sflag:s21], $0x4000  }
0x33: {  	[sflag:s21] =	ssyncset.done $0x0  }
0x34: {  	[sflag:s21] =	ssyncadd.s32 $0xFFFFC000  }
0x35: {  	[spmem:s9] =	stream.linear.scatter [tilespmem:s20], [sflag:$0x2], $0x4000, $0x38;
	[tilespmem:$0x1B100] =	vst v63  }
0x36: {  	_ =	swait.ge [sflag:s21], $0x4000  }
0x37: {  	[sflag:s21] =	ssyncset.done $0x0  }
0x38: {  	[sflag:s21] =	ssyncadd.s32 $0xFFFFC000  }
0x39: {  	[spmem:s10] =	stream.linear.scatter [tilespmem:s20], [sflag:$0x2], $0x4000, $0x38;
	[tilespmem:$0x1B100] =	vst v63  }
0x3a: {  	_ =	swait.ge [sflag:s21], $0x4000  }
0x3b: {  	[sflag:s21] =	ssyncset.done $0x0  }
0x3c: {  	s26 =	simm.s32 $0x40;
	s28 =	simm.s32 $0x0;
	[sflag:s21] =	ssyncadd.s32 $0xFFFFC000  }
.LBB2_4:
0x3d: {  	p0 =	sne.s32 s26, $0x1FC0;
	[tilespmem:s28+$0x18100] =	vst v0;
	s28 =	smov.u32 s26;
	s26 =	sadd.s32 $0x40, s26  }
.Ltmp1:
0x3e: {  	(pc) =	sbr.rel @p0 .LBB2_4-.Ltmp1, $2  }
0x3f: {  	_ =	sdelay $0x2  }
0x40: {  	s28 =	sshra.s32 s28, $0x2  }
0x41: {  	[tilespmem:s28+$0x18100] =	vst v0  }
0x42: {  	[spmem:s11] =	stream.linear.scatter [tilespmem:s22], [sflag:$0x2], $0x800, $0x38;
	[tilespmem:$0x1B100] =	vst v63  }
0x43: {  	_ =	swait.ge [sflag:s21], $0x800  }
0x44: {  	[sflag:s21] =	ssyncset.done $0x0  }
0x45: {  	[sflag:s21] =	ssyncadd.s32 $0xFFFFF800  }
0x46: {  	[spmem:s12] =	stream.linear.scatter [tilespmem:s22], [sflag:$0x2], $0x800, $0x38;
	[tilespmem:$0x1B100] =	vst v63  }
0x47: {  	_ =	swait.ge [sflag:s21], $0x800  }
0x48: {  	[sflag:s21] =	ssyncset.done $0x0  }
0x49: {  	[sflag:s21] =	ssyncadd.s32 $0xFFFFF800  }
0x4a: {  	[spmem:s13] =	stream.linear.scatter [tilespmem:s22], [sflag:$0x2], $0x800, $0x38;
	[tilespmem:$0x1B100] =	vst v63  }
0x4b: {  	_ =	swait.ge [sflag:s21], $0x800  }
0x4c: {  	[sflag:s21] =	ssyncset.done $0x0  }
0x4d: {  	[sflag:s21] =	ssyncadd.s32 $0xFFFFF800  }
0x4e: {  	[spmem:s14] =	stream.linear.scatter [tilespmem:s22], [sflag:$0x2], $0x800, $0x38;
	[tilespmem:$0x1B100] =	vst v63  }
0x4f: {  	_ =	swait.ge [sflag:s21], $0x800  }
0x50: {  	[sflag:s21] =	ssyncset.done $0x0  }
0x51: {  	[sflag:s21] =	ssyncadd.s32 $0xFFFFF800  }
0x52: {  	[spmem:s15] =	stream.linear.scatter [tilespmem:s22], [sflag:$0x2], $0x800, $0x38;
	[tilespmem:$0x1B100] =	vst v63  }
0x53: {  	_ =	swait.ge [sflag:s21], $0x800  }
0x54: {  	[sflag:s21] =	ssyncset.done $0x0  }
0x55: {  	s26 =	simm.s32 $0x40;
	s28 =	simm.s32 $0x0;
	[sflag:s21] =	ssyncadd.s32 $0xFFFFF800  }
.LBB2_6:
0x56: {  	p0 =	sne.s32 s26, $0x1FC0;
	[tilespmem:s28+$0x18100] =	vst v1;
	s28 =	smov.u32 s26;
	s26 =	sadd.s32 $0x40, s26  }
.Ltmp2:
0x57: {  	(pc) =	sbr.rel @p0 .LBB2_6-.Ltmp2, $2  }
0x58: {  	_ =	sdelay $0x2  }
0x59: {  	s28 =	sshra.s32 s28, $0x2  }
0x5a: {  	[tilespmem:s28+$0x18100] =	vst v1  }
0x5b: {  	s26 =	sadd.s32 $0x0, s19;
	[bflag:$0x0] =	sbarrier.arrive $0xFFFF  }
0x5c: {  	[tilespmem:s5], [sflag:$0x2] =	stream.linear.gather [hbm4b:s26+s5], $0x100, $0x38;
	[tilespmem:$0x1B100] =	vst v63  }
0x5d: {  	_ =	swait.ge [sflag:s21], $0x100  }
0x5e: {  	[sflag:s21] =	ssyncset.done $0x0  }
0x5f: {  	[sflag:s21] =	ssyncadd.s32 $0xFFFFFF00  }
0x60: {  	[tilespmem:s20], [sflag:$0x1] =	stream.indirect.gather [hbm4b:s0+s23], $0x80, s5, s23, $0xb8;
	[tilespmem:$0x1B100] =	vst v63  }
0x61: {  	_ =	swait.ge [sflag:s24], $0x4000  }
0x62: {  	[sflag:s24] =	ssyncset.done $0x0  }
0x63: {  	[sflag:s24] =	ssyncadd.s32 $0xFFFFC000  }
0x64: {  	[spmem:s2] =	stream.indirect.scatter.add.f32 [tilespmem:s20], [sflag:$0x2], $0x80, s23, s23, $0xb8;
	[tilespmem:$0x1B100] =	vst v63  }
0x65: {  	_ =	swait.ge [sflag:s21], $0x4000  }
0x66: {  	[sflag:s21] =	ssyncset.done $0x0  }
0x67: {  	[sflag:s21] =	ssyncadd.s32 $0xFFFFC000  }
0x68: {  	[spmem:s4] =	stream.indirect.scatter.add.f32 [tilespmem:s22], [sflag:$0x2], $0x10, s23, s23, $0xb8;
	[tilespmem:$0x1B100] =	vst v63  }
0x69: {  	_ =	swait.ge [sflag:s21], $0x800  }
0x6a: {  	s28 =	simm.s32 $0x40;
	s26 =	simm.s32 $0x20;
	[sflag:s21] =	ssyncset.done $0x0  }
.LBB2_8:
0x6b: {  	s29 =	sadd.s32 s26, s19  }
0x6c: {  	[sflag:s21] =	ssyncadd.s32 $0xFFFFF800;
	s26 =	smov.u32 s28;
	s30 =	sadd.s32 $0x20, s28  }
0x6d: {  	[tilespmem:s5], [sflag:$0x2] =	stream.linear.gather [hbm4b:s29+s5], $0x100, $0x38;
	[tilespmem:$0x1B100] =	vst v63  }
0x6e: {  	p0 =	sne.s32 s28, $0x9E0;
	_ =	swait.ge [sflag:s21], $0x100  }
0x6f: {  	[sflag:s21] =	ssyncset.done $0x0  }
0x70: {  	[sflag:s21] =	ssyncadd.s32 $0xFFFFFF00  }
0x71: {  	[tilespmem:s20], [sflag:$0x1] =	stream.indirect.gather [hbm4b:s0+s23], $0x80, s5, s23, $0xb8;
	[tilespmem:$0x1B100] =	vst v63  }
0x72: {  	_ =	swait.ge [sflag:s24], $0x4000  }
0x73: {  	[sflag:s24] =	ssyncset.done $0x0  }
0x74: {  	[sflag:s24] =	ssyncadd.s32 $0xFFFFC000  }
0x75: {  	[spmem:s2] =	stream.indirect.scatter.add.f32 [tilespmem:s20], [sflag:$0x2], $0x80, s23, s23, $0xb8;
	[tilespmem:$0x1B100] =	vst v63  }
0x76: {  	_ =	swait.ge [sflag:s21], $0x4000  }
.Ltmp3:
0x77: {  	[sflag:s21] =	ssyncset.done $0x0;
	(pc) =	sbr.rel @p0 .LBB2_8-.Ltmp3, $4  }
0x78: {  	[sflag:s21] =	ssyncadd.s32 $0xFFFFC000  }
0x79: {  	[spmem:s4] =	stream.indirect.scatter.add.f32 [tilespmem:s22], [sflag:$0x2], $0x10, s23, s23, $0xb8;
	[tilespmem:$0x1B100] =	vst v63  }
0x7a: {  	_ =	swait.ge [sflag:s21], $0x800  }
0x7b: {  	s28 =	smov.u32 s30;
	[sflag:s21] =	ssyncset.done $0x0  }
0x7c: {  	s26 =	sadd.s32 s26, s19;
	[sflag:s21] =	ssyncadd.s32 $0xFFFFF800  }
0x7d: {  	[tilespmem:s5], [sflag:$0x2] =	stream.linear.gather [hbm4b:s26+s5], $0x100, $0x38;
	[tilespmem:$0x1B100] =	vst v63  }
0x7e: {  	_ =	swait.ge [sflag:s21], $0x100  }
0x7f: {  	[sflag:s21] =	ssyncset.done $0x0  }
0x80: {  	[sflag:s21] =	ssyncadd.s32 $0xFFFFFF00  }
0x81: {  	[tilespmem:s20], [sflag:$0x1] =	stream.indirect.gather [hbm4b:s0+s23], $0x80, s5, s23, $0xb8;
	[tilespmem:$0x1B100] =	vst v63  }
0x82: {  	_ =	swait.ge [sflag:s24], $0x4000  }
0x83: {  	[sflag:s24] =	ssyncset.done $0x0  }
0x84: {  	[sflag:s24] =	ssyncadd.s32 $0xFFFFC000  }
0x85: {  	[spmem:s2] =	stream.indirect.scatter.add.f32 [tilespmem:s20], [sflag:$0x2], $0x80, s23, s23, $0xb8;
	[tilespmem:$0x1B100] =	vst v63  }
0x86: {  	_ =	swait.ge [sflag:s21], $0x4000  }
0x87: {  	[sflag:s21] =	ssyncset.done $0x0  }
0x88: {  	[sflag:s21] =	ssyncadd.s32 $0xFFFFC000  }
0x89: {  	[spmem:s4] =	stream.indirect.scatter.add.f32 [tilespmem:s22], [sflag:$0x2], $0x10, s23, s23, $0xb8;
	[tilespmem:$0x1B100] =	vst v63  }
0x8a: {  	_ =	swait.ge [sflag:s21], $0x800  }
0x8b: {  	[sflag:s21] =	ssyncset.done $0x0  }
0x8c: {  	s30 =	sshll.u32 s3, $0x6;
	[sflag:s21] =	ssyncadd.s32 $0xFFFFF800  }
0x8d: {  	s28 =	sshrl.u32 s6, $0x3;
	s26 =	sor.u32 $0x1C02, s30;
	[bflag:$0x0] =	sbarrier.arrive $0xFFFF  }
0x8e: {  	[hbm:s16], [sflag:s26] =	dma.local [spmem:s28], $0x2800  }
0x8f: {  	s25 =	sadd.s32 $0x1, s25;
	_ =	swait.ge [sflag:s21], $0x2800  }
0x90: {  	p0 =	sne.s32 s25, s18;
	[sflag:s21] =	ssyncset.done $0x0  }
.Ltmp4:
0x91: {  	s31 =	sshrl.u32 s11, $0x3;
	[sflag:s21] =	ssyncadd.s32 $0xFFFFD800;
	(pc) =	sbr.rel @p0 .LBB2_1-.Ltmp4, $4  }
0x92: {  	[hbm:s17], [sflag:s26] =	dma.local [spmem:s31], $0x500  }
0x93: {  	_ =	swait.ge [sflag:s21], $0x500  }
0x94: {  	[sflag:s21] =	ssyncset.done $0x0  }
0x95: {  	[sflag:s21] =	ssyncadd.s32 $0xFFFFFB00  }
0x96: {  	_ =	sfence.sel $0x180000  }
0x97: {  	[bflag:$0x0] =	sbarrier.arrive $0xFFFF  }
0x98: {  	p0 =	sne.s32 s3, $0x0;
	_ =	strace $0x90000047  }
0x99: {  	s0 =	sadd.s32 @!p0 $0x100000, s1;
	[bflag:$0x2] =	sbarrier.arrive $0xFFFF  }
0x9a: {  	[sflag:s0] =	ssyncadd.tile.s32 @!p0 $0x1;
	_ =	shalt  }
.Lfunc_end2:
_tile_overlayer_lowered:
.L_overlay_start_2:
0x9b: {  	(tag) =	ssettag $0x2  }
0x9c: {  	s0 =	rddreg [dreg:$0x0];
	s2 =	stileid.u32  }
0x9d: {  	s1 =	rddreg [dreg:$0x1];
	p0 =	sne.s32 s2, $0x0  }
0x9e: {  	s3 =	rddreg [dreg:$0x2];
	[bflag:$0x3] =	sbarrier.arrive $0xFFFF;
	s2 =	simm.s32 @!p0 $0x1C02  }
0x9f: {  	[timem:s3], [sflag:s2] =	dma.local @!p0 [hbm:s0], s1  }
0xa0: {  	s0 =	simm.s32 @!p0 $0x2  }
0xa1: {  	_ =	swait.ge @!p0 [sflag:s0], s1  }
0xa2: {  	s1 =	ssub.s32 @!p0 $0x0, s1;
	[sflag:s0] =	ssyncset.done @!p0 $0x0  }
0xa3: {  	[sflag:s0] =	ssyncadd.s32 @!p0 s1  }
0xa4: {  	[bflag:$0x3] =	sbarrier.arrive $0xFFFF  }
0xa5: {  	_ =	shalt  }

</sc_bundles>
